<compile_context>
chip_gen: v7x
topology: tpu7x:2x2x1
jax: 0.10.2.dev20260603
libtpu: 0.0.44.dev20260713+nightly
codegen_flags: <defaults>
</compile_context>

<pallas_src>
import functools

import jax
import jax.numpy as jnp
from jax import lax
from jax.experimental import pallas as pl
from jax.experimental.pallas import tpu as pltpu
from jax.experimental.pallas import tpu_sc as plsc

VOCAB = 100000
EMBED = 64
N = 16384

NUM_CORES = 2
NUM_SUBCORES = 16
LANES = 16

CB = 128
NROWS = N // CB
ROWS_PER_TILE = NROWS // (NUM_CORES * NUM_SUBCORES)

CHUNK = 6256
LAST_CHUNK = VOCAB - CHUNK * (NUM_SUBCORES - 1)


def _count_body(idx_hbm, out0_hbm, out1_hbm, idx_v, ones_v, zeros_v, counts_sh,
                sem):
    cc = lax.axis_index("c")
    s = lax.axis_index("s")

    row0 = cc * (NROWS // NUM_CORES) + s * ROWS_PER_TILE
    idx_cps = [
        pltpu.async_copy(idx_hbm.at[row0 + j], idx_v.at[j], sem)
        for j in range(ROWS_PER_TILE)
    ]

    one = jnp.full((LANES,), 1.0, jnp.float32)
    for k in range(CB // LANES):
        ones_v[pl.ds(k * LANES, LANES)] = one

    zero = jnp.zeros((LANES,), jnp.float32)

    def zfill(i, carry):
        zeros_v[pl.ds(pl.multiple_of(i * LANES, LANES), LANES)] = zero
        return carry

    lax.fori_loop(0, CHUNK // LANES, zfill, 0, unroll=8)

    off = pl.multiple_of(s * CHUNK, 8)

    @pl.when(s < NUM_SUBCORES - 1)
    def _():
        pltpu.sync_copy(zeros_v, counts_sh.at[pl.ds(off, CHUNK)])

    @pl.when(s == NUM_SUBCORES - 1)
    def _():
        pltpu.sync_copy(zeros_v.at[pl.ds(0, LAST_CHUNK)],
                        counts_sh.at[pl.ds(off, LAST_CHUNK)])

    for cp in idx_cps:
        cp.wait()
    plsc.subcore_barrier()

    for j in range(ROWS_PER_TILE):
        pltpu.sync_copy(ones_v, counts_sh.at[idx_v.at[j]], add=True)

    plsc.subcore_barrier()

    @pl.when(jnp.logical_and(s < NUM_SUBCORES - 1, cc == 0))
    def _():
        pltpu.sync_copy(counts_sh.at[pl.ds(off, CHUNK)],
                        out0_hbm.at[pl.ds(off, CHUNK)])

    @pl.when(jnp.logical_and(s == NUM_SUBCORES - 1, cc == 0))
    def _():
        pltpu.sync_copy(counts_sh.at[pl.ds(off, LAST_CHUNK)],
                        out0_hbm.at[pl.ds(off, LAST_CHUNK)])

    @pl.when(jnp.logical_and(s < NUM_SUBCORES - 1, cc == 1))
    def _():
        pltpu.sync_copy(counts_sh.at[pl.ds(off, CHUNK)],
                        out1_hbm.at[pl.ds(off, CHUNK)])

    @pl.when(jnp.logical_and(s == NUM_SUBCORES - 1, cc == 1))
    def _():
        pltpu.sync_copy(counts_sh.at[pl.ds(off, LAST_CHUNK)],
                        out1_hbm.at[pl.ds(off, LAST_CHUNK)])


@functools.cache
def _count_kernel():
    return pl.kernel(
        _count_body,
        out_type=[
            jax.ShapeDtypeStruct((VOCAB,), jnp.float32),
            jax.ShapeDtypeStruct((VOCAB,), jnp.float32),
        ],
        mesh=plsc.VectorSubcoreMesh(
            core_axis_name="c", subcore_axis_name="s",
            num_cores=NUM_CORES, num_subcores=NUM_SUBCORES,
        ),
        scratch_types=[
            pltpu.VMEM((ROWS_PER_TILE, CB), jnp.int32),
            pltpu.VMEM((CB,), jnp.float32),
            pltpu.VMEM((CHUNK,), jnp.float32),
            pltpu.VMEM_SHARED((VOCAB,), jnp.float32),
            pltpu.SemaphoreType.DMA,
        ],
        compiler_params=pltpu.CompilerParams(use_tc_tiling_on_sc=False),
    )


BV = 25600
NB = (VOCAB + BV - 1) // BV


def _fused_body(c0_ref, c1_ref, et_ref, wt_ref, b_ref, o_ref, acc_ref):
    p = pl.program_id(0)
    j = pl.program_id(1)

    @pl.when(jnp.logical_and(p == 0, j == 0))
    def _():
        acc_ref[...] = jnp.zeros_like(acc_ref)

    @pl.when(p == 0)
    def _():
        col = j * BV + lax.broadcasted_iota(jnp.int32, (1, BV), 1)
        valid = col < VOCAB
        c = jnp.where(valid, (c0_ref[...] + c1_ref[...])[None, :], 0.0)
        et = jnp.where(jnp.broadcast_to(valid, (EMBED, BV)), et_ref[...], 0.0)
        acc_ref[...] += lax.dot_general(
            c, et, (((1,), (1,)), ((), ())),
            preferred_element_type=jnp.float32,
        )

    @pl.when(p == 1)
    def _():
        res = lax.dot_general(
            acc_ref[...], wt_ref[...], (((1,), (0,)), ((), ())),
            preferred_element_type=jnp.float32,
        )
        o_ref[...] = res[0] + b_ref[...]


def _fused(c0, c1, embT, WT, b):
    return pl.pallas_call(
        _fused_body,
        grid=(2, NB),
        in_specs=[
            pl.BlockSpec((BV,), lambda p, j: (j * (1 - p) + (NB - 1) * p,)),
            pl.BlockSpec((BV,), lambda p, j: (j * (1 - p) + (NB - 1) * p,)),
            pl.BlockSpec((EMBED, BV),
                         lambda p, j: (0, j * (1 - p) + (NB - 1) * p)),
            pl.BlockSpec((EMBED, BV), lambda p, j: (0, j * p)),
            pl.BlockSpec((BV,), lambda p, j: (j * p,)),
        ],
        out_specs=pl.BlockSpec((BV,), lambda p, j: (j * p,)),
        out_shape=jax.ShapeDtypeStruct((VOCAB,), jnp.float32),
        scratch_shapes=[pltpu.VMEM((1, EMBED), jnp.float32)],
    )(c0, c1, embT, WT, b)


def kernel(inputs, emb, W, b):
    idx2 = inputs.astype(jnp.int32).reshape(NROWS, CB)
    c0, c1 = _count_kernel()(idx2)
    return _fused(c0, c1, emb.T, W.T, b)

# --- scband reference (transcript-rebuilt; emitter-appended) ---
"""Pipeline reference for scband-cbow-7576322310788 (READ-ONLY COPY).

The authoritative reference and input builder live on the scoring server;
editing this copy changes nothing except your own understanding.
"""

import jax, jax.numpy as jnp
import numpy as np

VOCAB = 100000
EMBED = 64
N = 16384

def setup_inputs(seed: int = 0) -> dict:
    key = jax.random.key(seed)
    k1, k2, k3, k4 = jax.random.split(key, 4)
    inputs = jax.random.randint(k1, (N,), 0, VOCAB, dtype=jnp.int64)
    emb = jax.random.normal(k2, (VOCAB, EMBED), dtype=jnp.float32)
    W = jax.random.normal(k3, (VOCAB, EMBED), dtype=jnp.float32) * (1.0 / np.sqrt(EMBED))
    b = jax.random.normal(k4, (VOCAB,), dtype=jnp.float32) * 0.01
    return {"inputs": inputs, "emb": emb, "W": W, "b": b}

def reference(inputs, emb, W, b):
    # lookup_embeds = self.embeddings(inputs)  -> gather rows of embedding table
    lookup_embeds = jnp.take(emb, inputs, axis=0)  # [N, EMBED]
    # embeds = lookup_embeds.sum(dim=0)
    embeds = lookup_embeds.sum(axis=0)  # [EMBED]
    # out = self.linear1(embeds)  -> embeds @ W.T + b
    out = embeds @ W.T + b  # [VOCAB]
    return out

if __name__ == "__main__":
    import jax
    _d = setup_inputs()
    print(jax.jit(kernel)(*tuple(_d.values())))

</pallas_src>

<mosaic_0001>
#map = affine_map<(d0, d1) -> (0, 0)>
#map1 = affine_map<(d0, d1) -> (0)>
module attributes {stable_mosaic.version = 14 : i64} {
  func.func @_count_body(%arg0: i32, %arg1: i32, %arg2: memref<128x128xi32, #tpu.memory_space<hbm>>, %arg3: memref<100000xf32, #tpu.memory_space<hbm>>, %arg4: memref<100000xf32, #tpu.memory_space<hbm>>, %arg5: memref<4x128xi32, #tpu.memory_space<vmem>>, %arg6: memref<128xf32, #tpu.memory_space<vmem>>, %arg7: memref<6256xf32, #tpu.memory_space<vmem>>, %arg8: memref<100000xf32, #tpu.memory_space<vmem_shared>>, %arg9: memref<!tpu.dma_semaphore, #tpu.memory_space<semaphore_mem>>) attributes {dimension_semantics = [#tpu.dimension_semantics<core_parallel>, #tpu.dimension_semantics<subcore_parallel>], iteration_bounds = array<i64: 2, 16>, scalar_prefetch = 0 : i64, scratch_operands = 5 : i64, tpu.core_type = #tpu.core_type<sc_vector_subcore>, window_params = [{transform_indices = #map}, {transform_indices = #map1}, {transform_indices = #map1}]} {
    %mul3A = arith.constant 64 : i32
    %mul3A_0 = arith.muli %arg0, %mul3A : i32
    %mul3A_1 = arith.constant 4 : i32
    %mul3A_2 = arith.muli %arg1, %mul3A_1 : i32
    %add3A = arith.addi %mul3A_0, %mul3A_2 : i32
    %add3A_3 = arith.constant 0 : i32
    %add3A_4 = arith.addi %add3A, %add3A_3 : i32
    %dma_start3A = arith.constant 0 : i32
    %dma_start3A_5 = arith.constant 0 : i32
    %dma_start3A_6 = tpu.memref_slice %arg5[%dma_start3A, %dma_start3A_5] : memref<4x128xi32, #tpu.memory_space<vmem>> -> memref<1x128xi32, #tpu.memory_space<vmem>>
    %dma_start3A_7 = tpu.memref_squeeze %dma_start3A_6 : memref<1x128xi32, #tpu.memory_space<vmem>> -> memref<128xi32, #tpu.memory_space<vmem>>
    %dma_start3A_8 = arith.constant 0 : i32
    %dma_start3A_9 = tpu.memref_slice %arg2[%add3A_4, %dma_start3A_8] : memref<128x128xi32, #tpu.memory_space<hbm>> -> memref<1x128xi32, #tpu.memory_space<hbm>>
    %dma_start3A_10 = tpu.memref_squeeze %dma_start3A_9 : memref<1x128xi32, #tpu.memory_space<hbm>> -> memref<128xi32, #tpu.memory_space<hbm>>
    %dma_start3A_11 = arith.constant 0 : i32
    %dma_start3A_12 = tpu.memref_slice %arg5[%dma_start3A, %dma_start3A_11] : memref<4x128xi32, #tpu.memory_space<vmem>> -> memref<1x128xi32, #tpu.memory_space<vmem>>
    %dma_start3A_13 = tpu.memref_squeeze %dma_start3A_12 : memref<1x128xi32, #tpu.memory_space<vmem>> -> memref<128xi32, #tpu.memory_space<vmem>>
    %dma_start3A_14 = arith.constant 0 : i32
    %dma_start3A_15 = tpu.memref_slice %arg2[%add3A_4, %dma_start3A_14] : memref<128x128xi32, #tpu.memory_space<hbm>> -> memref<1x128xi32, #tpu.memory_space<hbm>>
    %dma_start3A_16 = tpu.memref_squeeze %dma_start3A_15 : memref<1x128xi32, #tpu.memory_space<hbm>> -> memref<128xi32, #tpu.memory_space<hbm>>
    tpu.enqueue_dma source(%dma_start3A_16 : memref<128xi32, #tpu.memory_space<hbm>>) target(%dma_start3A_13 : memref<128xi32, #tpu.memory_space<vmem>>) target_semaphore(%arg9 : memref<!tpu.dma_semaphore, #tpu.memory_space<semaphore_mem>>)
    %add3A_17 = arith.constant 1 : i32
    %add3A_18 = arith.addi %add3A, %add3A_17 : i32
    %dma_start3A_19 = arith.constant 1 : i32
    %dma_start3A_20 = arith.constant 0 : i32
    %dma_start3A_21 = tpu.memref_slice %arg5[%dma_start3A_19, %dma_start3A_20] : memref<4x128xi32, #tpu.memory_space<vmem>> -> memref<1x128xi32, #tpu.memory_space<vmem>>
    %dma_start3A_22 = tpu.memref_squeeze %dma_start3A_21 : memref<1x128xi32, #tpu.memory_space<vmem>> -> memref<128xi32, #tpu.memory_space<vmem>>
    %dma_start3A_23 = arith.constant 0 : i32
    %dma_start3A_24 = tpu.memref_slice %arg2[%add3A_18, %dma_start3A_23] : memref<128x128xi32, #tpu.memory_space<hbm>> -> memref<1x128xi32, #tpu.memory_space<hbm>>
    %dma_start3A_25 = tpu.memref_squeeze %dma_start3A_24 : memref<1x128xi32, #tpu.memory_space<hbm>> -> memref<128xi32, #tpu.memory_space<hbm>>
    %dma_start3A_26 = arith.constant 0 : i32
    %dma_start3A_27 = tpu.memref_slice %arg5[%dma_start3A_19, %dma_start3A_26] : memref<4x128xi32, #tpu.memory_space<vmem>> -> memref<1x128xi32, #tpu.memory_space<vmem>>
    %dma_start3A_28 = tpu.memref_squeeze %dma_start3A_27 : memref<1x128xi32, #tpu.memory_space<vmem>> -> memref<128xi32, #tpu.memory_space<vmem>>
    %dma_start3A_29 = arith.constant 0 : i32
    %dma_start3A_30 = tpu.memref_slice %arg2[%add3A_18, %dma_start3A_29] : memref<128x128xi32, #tpu.memory_space<hbm>> -> memref<1x128xi32, #tpu.memory_space<hbm>>
    %dma_start3A_31 = tpu.memref_squeeze %dma_start3A_30 : memref<1x128xi32, #tpu.memory_space<hbm>> -> memref<128xi32, #tpu.memory_space<hbm>>
    tpu.enqueue_dma source(%dma_start3A_31 : memref<128xi32, #tpu.memory_space<hbm>>) target(%dma_start3A_28 : memref<128xi32, #tpu.memory_space<vmem>>) target_semaphore(%arg9 : memref<!tpu.dma_semaphore, #tpu.memory_space<semaphore_mem>>)
    %add3A_32 = arith.constant 2 : i32
    %add3A_33 = arith.addi %add3A, %add3A_32 : i32
    %dma_start3A_34 = arith.constant 2 : i32
    %dma_start3A_35 = arith.constant 0 : i32
    %dma_start3A_36 = tpu.memref_slice %arg5[%dma_start3A_34, %dma_start3A_35] : memref<4x128xi32, #tpu.memory_space<vmem>> -> memref<1x128xi32, #tpu.memory_space<vmem>>
    %dma_start3A_37 = tpu.memref_squeeze %dma_start3A_36 : memref<1x128xi32, #tpu.memory_space<vmem>> -> memref<128xi32, #tpu.memory_space<vmem>>
    %dma_start3A_38 = arith.constant 0 : i32
    %dma_start3A_39 = tpu.memref_slice %arg2[%add3A_33, %dma_start3A_38] : memref<128x128xi32, #tpu.memory_space<hbm>> -> memref<1x128xi32, #tpu.memory_space<hbm>>
    %dma_start3A_40 = tpu.memref_squeeze %dma_start3A_39 : memref<1x128xi32, #tpu.memory_space<hbm>> -> memref<128xi32, #tpu.memory_space<hbm>>
    %dma_start3A_41 = arith.constant 0 : i32
    %dma_start3A_42 = tpu.memref_slice %arg5[%dma_start3A_34, %dma_start3A_41] : memref<4x128xi32, #tpu.memory_space<vmem>> -> memref<1x128xi32, #tpu.memory_space<vmem>>
    %dma_start3A_43 = tpu.memref_squeeze %dma_start3A_42 : memref<1x128xi32, #tpu.memory_space<vmem>> -> memref<128xi32, #tpu.memory_space<vmem>>
    %dma_start3A_44 = arith.constant 0 : i32
    %dma_start3A_45 = tpu.memref_slice %arg2[%add3A_33, %dma_start3A_44] : memref<128x128xi32, #tpu.memory_space<hbm>> -> memref<1x128xi32, #tpu.memory_space<hbm>>
    %dma_start3A_46 = tpu.memref_squeeze %dma_start3A_45 : memref<1x128xi32, #tpu.memory_space<hbm>> -> memref<128xi32, #tpu.memory_space<hbm>>
    tpu.enqueue_dma source(%dma_start3A_46 : memref<128xi32, #tpu.memory_space<hbm>>) target(%dma_start3A_43 : memref<128xi32, #tpu.memory_space<vmem>>) target_semaphore(%arg9 : memref<!tpu.dma_semaphore, #tpu.memory_space<semaphore_mem>>)
    %add3A_47 = arith.constant 3 : i32
    %add3A_48 = arith.addi %add3A, %add3A_47 : i32
    %dma_start3A_49 = arith.constant 3 : i32
    %dma_start3A_50 = arith.constant 0 : i32
    %dma_start3A_51 = tpu.memref_slice %arg5[%dma_start3A_49, %dma_start3A_50] : memref<4x128xi32, #tpu.memory_space<vmem>> -> memref<1x128xi32, #tpu.memory_space<vmem>>
    %dma_start3A_52 = tpu.memref_squeeze %dma_start3A_51 : memref<1x128xi32, #tpu.memory_space<vmem>> -> memref<128xi32, #tpu.memory_space<vmem>>
    %dma_start3A_53 = arith.constant 0 : i32
    %dma_start3A_54 = tpu.memref_slice %arg2[%add3A_48, %dma_start3A_53] : memref<128x128xi32, #tpu.memory_space<hbm>> -> memref<1x128xi32, #tpu.memory_space<hbm>>
    %dma_start3A_55 = tpu.memref_squeeze %dma_start3A_54 : memref<1x128xi32, #tpu.memory_space<hbm>> -> memref<128xi32, #tpu.memory_space<hbm>>
    %dma_start3A_56 = arith.constant 0 : i32
    %dma_start3A_57 = tpu.memref_slice %arg5[%dma_start3A_49, %dma_start3A_56] : memref<4x128xi32, #tpu.memory_space<vmem>> -> memref<1x128xi32, #tpu.memory_space<vmem>>
    %dma_start3A_58 = tpu.memref_squeeze %dma_start3A_57 : memref<1x128xi32, #tpu.memory_space<vmem>> -> memref<128xi32, #tpu.memory_space<vmem>>
    %dma_start3A_59 = arith.constant 0 : i32
    %dma_start3A_60 = tpu.memref_slice %arg2[%add3A_48, %dma_start3A_59] : memref<128x128xi32, #tpu.memory_space<hbm>> -> memref<1x128xi32, #tpu.memory_space<hbm>>
    %dma_start3A_61 = tpu.memref_squeeze %dma_start3A_60 : memref<1x128xi32, #tpu.memory_space<hbm>> -> memref<128xi32, #tpu.memory_space<hbm>>
    tpu.enqueue_dma source(%dma_start3A_61 : memref<128xi32, #tpu.memory_space<hbm>>) target(%dma_start3A_58 : memref<128xi32, #tpu.memory_space<vmem>>) target_semaphore(%arg9 : memref<!tpu.dma_semaphore, #tpu.memory_space<semaphore_mem>>)
    %broadcast_in_dim3A = arith.constant 1.000000e+00 : f32
    %broadcast_in_dim3A_62 = vector.broadcast %broadcast_in_dim3A : f32 to vector<16xf32>
    %swap3A = arith.constant 0 : index
    %swap3A_63 = tpu.vector_load %arg6[%swap3A] {strides = array<i32>} : memref<128xf32, #tpu.memory_space<vmem>>, vector<16xf32>,
    %swap3A_64 = vector.shape_cast %swap3A_63 : vector<16xf32> to vector<16xf32>
    %swap3A_65 = vector.shape_cast %broadcast_in_dim3A_62 : vector<16xf32> to vector<16xf32>
    tpu.vector_store %arg6[%swap3A], %swap3A_65 {strides = array<i32>} : memref<128xf32, #tpu.memory_space<vmem>>, vector<16xf32>,
    %swap3A_66 = arith.constant 16 : index
    %swap3A_67 = tpu.vector_load %arg6[%swap3A_66] {strides = array<i32>} : memref<128xf32, #tpu.memory_space<vmem>>, vector<16xf32>,
    %swap3A_68 = vector.shape_cast %swap3A_67 : vector<16xf32> to vector<16xf32>
    %swap3A_69 = vector.shape_cast %broadcast_in_dim3A_62 : vector<16xf32> to vector<16xf32>
    tpu.vector_store %arg6[%swap3A_66], %swap3A_69 {strides = array<i32>} : memref<128xf32, #tpu.memory_space<vmem>>, vector<16xf32>,
    %swap3A_70 = arith.constant 32 : index
    %swap3A_71 = tpu.vector_load %arg6[%swap3A_70] {strides = array<i32>} : memref<128xf32, #tpu.memory_space<vmem>>, vector<16xf32>,
    %swap3A_72 = vector.shape_cast %swap3A_71 : vector<16xf32> to vector<16xf32>
    %swap3A_73 = vector.shape_cast %broadcast_in_dim3A_62 : vector<16xf32> to vector<16xf32>
    tpu.vector_store %arg6[%swap3A_70], %swap3A_73 {strides = array<i32>} : memref<128xf32, #tpu.memory_space<vmem>>, vector<16xf32>,
    %swap3A_74 = arith.constant 48 : index
    %swap3A_75 = tpu.vector_load %arg6[%swap3A_74] {strides = array<i32>} : memref<128xf32, #tpu.memory_space<vmem>>, vector<16xf32>,
    %swap3A_76 = vector.shape_cast %swap3A_75 : vector<16xf32> to vector<16xf32>
    %swap3A_77 = vector.shape_cast %broadcast_in_dim3A_62 : vector<16xf32> to vector<16xf32>
    tpu.vector_store %arg6[%swap3A_74], %swap3A_77 {strides = array<i32>} : memref<128xf32, #tpu.memory_space<vmem>>, vector<16xf32>,
    %swap3A_78 = arith.constant 64 : index
    %swap3A_79 = tpu.vector_load %arg6[%swap3A_78] {strides = array<i32>} : memref<128xf32, #tpu.memory_space<vmem>>, vector<16xf32>,
    %swap3A_80 = vector.shape_cast %swap3A_79 : vector<16xf32> to vector<16xf32>
    %swap3A_81 = vector.shape_cast %broadcast_in_dim3A_62 : vector<16xf32> to vector<16xf32>
    tpu.vector_store %arg6[%swap3A_78], %swap3A_81 {strides = array<i32>} : memref<128xf32, #tpu.memory_space<vmem>>, vector<16xf32>,
    %swap3A_82 = arith.constant 80 : index
    %swap3A_83 = tpu.vector_load %arg6[%swap3A_82] {strides = array<i32>} : memref<128xf32, #tpu.memory_space<vmem>>, vector<16xf32>,
    %swap3A_84 = vector.shape_cast %swap3A_83 : vector<16xf32> to vector<16xf32>
    %swap3A_85 = vector.shape_cast %broadcast_in_dim3A_62 : vector<16xf32> to vector<16xf32>
    tpu.vector_store %arg6[%swap3A_82], %swap3A_85 {strides = array<i32>} : memref<128xf32, #tpu.memory_space<vmem>>, vector<16xf32>,
    %swap3A_86 = arith.constant 96 : index
    %swap3A_87 = tpu.vector_load %arg6[%swap3A_86] {strides = array<i32>} : memref<128xf32, #tpu.memory_space<vmem>>, vector<16xf32>,
    %swap3A_88 = vector.shape_cast %swap3A_87 : vector<16xf32> to vector<16xf32>
    %swap3A_89 = vector.shape_cast %broadcast_in_dim3A_62 : vector<16xf32> to vector<16xf32>
    tpu.vector_store %arg6[%swap3A_86], %swap3A_89 {strides = array<i32>} : memref<128xf32, #tpu.memory_space<vmem>>, vector<16xf32>,
    %swap3A_90 = arith.constant 112 : index
    %swap3A_91 = tpu.vector_load %arg6[%swap3A_90] {strides = array<i32>} : memref<128xf32, #tpu.memory_space<vmem>>, vector<16xf32>,
    %swap3A_92 = vector.shape_cast %swap3A_91 : vector<16xf32> to vector<16xf32>
    %swap3A_93 = vector.shape_cast %broadcast_in_dim3A_62 : vector<16xf32> to vector<16xf32>
    tpu.vector_store %arg6[%swap3A_90], %swap3A_93 {strides = array<i32>} : memref<128xf32, #tpu.memory_space<vmem>>, vector<16xf32>,
    %broadcast_in_dim3A_94 = arith.constant 0.000000e+00 : f32
    %broadcast_in_dim3A_95 = vector.broadcast %broadcast_in_dim3A_94 : f32 to vector<16xf32>
    %scan3A = arith.constant 0 : i32
    %scan3A_96 = arith.constant 0 : i32
    %scan3A_97 = arith.constant 384 : i32
    %scan3A_98 = arith.addi %scan3A_96, %scan3A_97 : i32
    %scan3A_99 = arith.constant 8 : i32
    scf.for %scan3A_258 = %scan3A_96 to %scan3A_98 step %scan3A_99  : i32 {
      %mul3A_259 = arith.constant 16 : i32
      %mul3A_260 = arith.muli %scan3A_258, %mul3A_259 : i32
      %multiple_of3A_261 = tpu.assume_multiple %mul3A_260, 16 : i32
      %swap3A_262 = arith.index_cast %multiple_of3A_261 : i32 to index
      %swap3A_263 = tpu.vector_load %arg7[%swap3A_262] {strides = array<i32>} : memref<6256xf32, #tpu.memory_space<vmem>>, vector<16xf32>,
      %swap3A_264 = vector.shape_cast %swap3A_263 : vector<16xf32> to vector<16xf32>
      %swap3A_265 = vector.shape_cast %broadcast_in_dim3A_95 : vector<16xf32> to vector<16xf32>
      tpu.vector_store %arg7[%swap3A_262], %swap3A_265 {strides = array<i32>} : memref<6256xf32, #tpu.memory_space<vmem>>, vector<16xf32>,
      %scan3A_266 = arith.constant 1 : i32
      %scan3A_267 = arith.addi %scan3A_258, %scan3A_266 : i32
      %mul3A_268 = arith.constant 16 : i32
      %mul3A_269 = arith.muli %scan3A_267, %mul3A_268 : i32
      %multiple_of3A_270 = tpu.assume_multiple %mul3A_269, 16 : i32
      %swap3A_271 = arith.index_cast %multiple_of3A_270 : i32 to index
      %swap3A_272 = tpu.vector_load %arg7[%swap3A_271] {strides = array<i32>} : memref<6256xf32, #tpu.memory_space<vmem>>, vector<16xf32>,
      %swap3A_273 = vector.shape_cast %swap3A_272 : vector<16xf32> to vector<16xf32>
      %swap3A_274 = vector.shape_cast %broadcast_in_dim3A_95 : vector<16xf32> to vector<16xf32>
      tpu.vector_store %arg7[%swap3A_271], %swap3A_274 {strides = array<i32>} : memref<6256xf32, #tpu.memory_space<vmem>>, vector<16xf32>,
      %scan3A_275 = arith.constant 2 : i32
      %scan3A_276 = arith.addi %scan3A_258, %scan3A_275 : i32
      %mul3A_277 = arith.constant 16 : i32
      %mul3A_278 = arith.muli %scan3A_276, %mul3A_277 : i32
      %multiple_of3A_279 = tpu.assume_multiple %mul3A_278, 16 : i32
      %swap3A_280 = arith.index_cast %multiple_of3A_279 : i32 to index
      %swap3A_281 = tpu.vector_load %arg7[%swap3A_280] {strides = array<i32>} : memref<6256xf32, #tpu.memory_space<vmem>>, vector<16xf32>,
      %swap3A_282 = vector.shape_cast %swap3A_281 : vector<16xf32> to vector<16xf32>
      %swap3A_283 = vector.shape_cast %broadcast_in_dim3A_95 : vector<16xf32> to vector<16xf32>
      tpu.vector_store %arg7[%swap3A_280], %swap3A_283 {strides = array<i32>} : memref<6256xf32, #tpu.memory_space<vmem>>, vector<16xf32>,
      %scan3A_284 = arith.constant 3 : i32
      %scan3A_285 = arith.addi %scan3A_258, %scan3A_284 : i32
      %mul3A_286 = arith.constant 16 : i32
      %mul3A_287 = arith.muli %scan3A_285, %mul3A_286 : i32
      %multiple_of3A_288 = tpu.assume_multiple %mul3A_287, 16 : i32
      %swap3A_289 = arith.index_cast %multiple_of3A_288 : i32 to index
      %swap3A_290 = tpu.vector_load %arg7[%swap3A_289] {strides = array<i32>} : memref<6256xf32, #tpu.memory_space<vmem>>, vector<16xf32>,
      %swap3A_291 = vector.shape_cast %swap3A_290 : vector<16xf32> to vector<16xf32>
      %swap3A_292 = vector.shape_cast %broadcast_in_dim3A_95 : vector<16xf32> to vector<16xf32>
      tpu.vector_store %arg7[%swap3A_289], %swap3A_292 {strides = array<i32>} : memref<6256xf32, #tpu.memory_space<vmem>>, vector<16xf32>,
      %scan3A_293 = arith.constant 4 : i32
      %scan3A_294 = arith.addi %scan3A_258, %scan3A_293 : i32
      %mul3A_295 = arith.constant 16 : i32
      %mul3A_296 = arith.muli %scan3A_294, %mul3A_295 : i32
      %multiple_of3A_297 = tpu.assume_multiple %mul3A_296, 16 : i32
      %swap3A_298 = arith.index_cast %multiple_of3A_297 : i32 to index
      %swap3A_299 = tpu.vector_load %arg7[%swap3A_298] {strides = array<i32>} : memref<6256xf32, #tpu.memory_space<vmem>>, vector<16xf32>,
      %swap3A_300 = vector.shape_cast %swap3A_299 : vector<16xf32> to vector<16xf32>
      %swap3A_301 = vector.shape_cast %broadcast_in_dim3A_95 : vector<16xf32> to vector<16xf32>
      tpu.vector_store %arg7[%swap3A_298], %swap3A_301 {strides = array<i32>} : memref<6256xf32, #tpu.memory_space<vmem>>, vector<16xf32>,
      %scan3A_302 = arith.constant 5 : i32
      %scan3A_303 = arith.addi %scan3A_258, %scan3A_302 : i32
      %mul3A_304 = arith.constant 16 : i32
      %mul3A_305 = arith.muli %scan3A_303, %mul3A_304 : i32
      %multiple_of3A_306 = tpu.assume_multiple %mul3A_305, 16 : i32
      %swap3A_307 = arith.index_cast %multiple_of3A_306 : i32 to index
      %swap3A_308 = tpu.vector_load %arg7[%swap3A_307] {strides = array<i32>} : memref<6256xf32, #tpu.memory_space<vmem>>, vector<16xf32>,
      %swap3A_309 = vector.shape_cast %swap3A_308 : vector<16xf32> to vector<16xf32>
      %swap3A_310 = vector.shape_cast %broadcast_in_dim3A_95 : vector<16xf32> to vector<16xf32>
      tpu.vector_store %arg7[%swap3A_307], %swap3A_310 {strides = array<i32>} : memref<6256xf32, #tpu.memory_space<vmem>>, vector<16xf32>,
      %scan3A_311 = arith.constant 6 : i32
      %scan3A_312 = arith.addi %scan3A_258, %scan3A_311 : i32
      %mul3A_313 = arith.constant 16 : i32
      %mul3A_314 = arith.muli %scan3A_312, %mul3A_313 : i32
      %multiple_of3A_315 = tpu.assume_multiple %mul3A_314, 16 : i32
      %swap3A_316 = arith.index_cast %multiple_of3A_315 : i32 to index
      %swap3A_317 = tpu.vector_load %arg7[%swap3A_316] {strides = array<i32>} : memref<6256xf32, #tpu.memory_space<vmem>>, vector<16xf32>,
      %swap3A_318 = vector.shape_cast %swap3A_317 : vector<16xf32> to vector<16xf32>
      %swap3A_319 = vector.shape_cast %broadcast_in_dim3A_95 : vector<16xf32> to vector<16xf32>
      tpu.vector_store %arg7[%swap3A_316], %swap3A_319 {strides = array<i32>} : memref<6256xf32, #tpu.memory_space<vmem>>, vector<16xf32>,
      %scan3A_320 = arith.constant 7 : i32
      %scan3A_321 = arith.addi %scan3A_258, %scan3A_320 : i32
      %mul3A_322 = arith.constant 16 : i32
      %mul3A_323 = arith.muli %scan3A_321, %mul3A_322 : i32
      %multiple_of3A_324 = tpu.assume_multiple %mul3A_323, 16 : i32
      %swap3A_325 = arith.index_cast %multiple_of3A_324 : i32 to index
      %swap3A_326 = tpu.vector_load %arg7[%swap3A_325] {strides = array<i32>} : memref<6256xf32, #tpu.memory_space<vmem>>, vector<16xf32>,
      %swap3A_327 = vector.shape_cast %swap3A_326 : vector<16xf32> to vector<16xf32>
      %swap3A_328 = vector.shape_cast %broadcast_in_dim3A_95 : vector<16xf32> to vector<16xf32>
      tpu.vector_store %arg7[%swap3A_325], %swap3A_328 {strides = array<i32>} : memref<6256xf32, #tpu.memory_space<vmem>>, vector<16xf32>,
    }
    %scan3A_100 = arith.constant 384 : i32
    %scan3A_101 = arith.addi %scan3A_96, %scan3A_100 : i32
    %mul3A_102 = arith.constant 16 : i32
    %mul3A_103 = arith.muli %scan3A_101, %mul3A_102 : i32
    %multiple_of3A = tpu.assume_multiple %mul3A_103, 16 : i32
    %swap3A_104 = arith.index_cast %multiple_of3A : i32 to index
    %swap3A_105 = tpu.vector_load %arg7[%swap3A_104] {strides = array<i32>} : memref<6256xf32, #tpu.memory_space<vmem>>, vector<16xf32>,
    %swap3A_106 = vector.shape_cast %swap3A_105 : vector<16xf32> to vector<16xf32>
    %swap3A_107 = vector.shape_cast %broadcast_in_dim3A_95 : vector<16xf32> to vector<16xf32>
    tpu.vector_store %arg7[%swap3A_104], %swap3A_107 {strides = array<i32>} : memref<6256xf32, #tpu.memory_space<vmem>>, vector<16xf32>,
    %scan3A_108 = arith.constant 385 : i32
    %scan3A_109 = arith.addi %scan3A_96, %scan3A_108 : i32
    %mul3A_110 = arith.constant 16 : i32
    %mul3A_111 = arith.muli %scan3A_109, %mul3A_110 : i32
    %multiple_of3A_112 = tpu.assume_multiple %mul3A_111, 16 : i32
    %swap3A_113 = arith.index_cast %multiple_of3A_112 : i32 to index
    %swap3A_114 = tpu.vector_load %arg7[%swap3A_113] {strides = array<i32>} : memref<6256xf32, #tpu.memory_space<vmem>>, vector<16xf32>,
    %swap3A_115 = vector.shape_cast %swap3A_114 : vector<16xf32> to vector<16xf32>
    %swap3A_116 = vector.shape_cast %broadcast_in_dim3A_95 : vector<16xf32> to vector<16xf32>
    tpu.vector_store %arg7[%swap3A_113], %swap3A_116 {strides = array<i32>} : memref<6256xf32, #tpu.memory_space<vmem>>, vector<16xf32>,
    %scan3A_117 = arith.constant 386 : i32
    %scan3A_118 = arith.addi %scan3A_96, %scan3A_117 : i32
    %mul3A_119 = arith.constant 16 : i32
    %mul3A_120 = arith.muli %scan3A_118, %mul3A_119 : i32
    %multiple_of3A_121 = tpu.assume_multiple %mul3A_120, 16 : i32
    %swap3A_122 = arith.index_cast %multiple_of3A_121 : i32 to index
    %swap3A_123 = tpu.vector_load %arg7[%swap3A_122] {strides = array<i32>} : memref<6256xf32, #tpu.memory_space<vmem>>, vector<16xf32>,
    %swap3A_124 = vector.shape_cast %swap3A_123 : vector<16xf32> to vector<16xf32>
    %swap3A_125 = vector.shape_cast %broadcast_in_dim3A_95 : vector<16xf32> to vector<16xf32>
    tpu.vector_store %arg7[%swap3A_122], %swap3A_125 {strides = array<i32>} : memref<6256xf32, #tpu.memory_space<vmem>>, vector<16xf32>,
    %scan3A_126 = arith.constant 387 : i32
    %scan3A_127 = arith.addi %scan3A_96, %scan3A_126 : i32
    %mul3A_128 = arith.constant 16 : i32
    %mul3A_129 = arith.muli %scan3A_127, %mul3A_128 : i32
    %multiple_of3A_130 = tpu.assume_multiple %mul3A_129, 16 : i32
    %swap3A_131 = arith.index_cast %multiple_of3A_130 : i32 to index
    %swap3A_132 = tpu.vector_load %arg7[%swap3A_131] {strides = array<i32>} : memref<6256xf32, #tpu.memory_space<vmem>>, vector<16xf32>,
    %swap3A_133 = vector.shape_cast %swap3A_132 : vector<16xf32> to vector<16xf32>
    %swap3A_134 = vector.shape_cast %broadcast_in_dim3A_95 : vector<16xf32> to vector<16xf32>
    tpu.vector_store %arg7[%swap3A_131], %swap3A_134 {strides = array<i32>} : memref<6256xf32, #tpu.memory_space<vmem>>, vector<16xf32>,
    %scan3A_135 = arith.constant 388 : i32
    %scan3A_136 = arith.addi %scan3A_96, %scan3A_135 : i32
    %mul3A_137 = arith.constant 16 : i32
    %mul3A_138 = arith.muli %scan3A_136, %mul3A_137 : i32
    %multiple_of3A_139 = tpu.assume_multiple %mul3A_138, 16 : i32
    %swap3A_140 = arith.index_cast %multiple_of3A_139 : i32 to index
    %swap3A_141 = tpu.vector_load %arg7[%swap3A_140] {strides = array<i32>} : memref<6256xf32, #tpu.memory_space<vmem>>, vector<16xf32>,
    %swap3A_142 = vector.shape_cast %swap3A_141 : vector<16xf32> to vector<16xf32>
    %swap3A_143 = vector.shape_cast %broadcast_in_dim3A_95 : vector<16xf32> to vector<16xf32>
    tpu.vector_store %arg7[%swap3A_140], %swap3A_143 {strides = array<i32>} : memref<6256xf32, #tpu.memory_space<vmem>>, vector<16xf32>,
    %scan3A_144 = arith.constant 389 : i32
    %scan3A_145 = arith.addi %scan3A_96, %scan3A_144 : i32
    %mul3A_146 = arith.constant 16 : i32
    %mul3A_147 = arith.muli %scan3A_145, %mul3A_146 : i32
    %multiple_of3A_148 = tpu.assume_multiple %mul3A_147, 16 : i32
    %swap3A_149 = arith.index_cast %multiple_of3A_148 : i32 to index
    %swap3A_150 = tpu.vector_load %arg7[%swap3A_149] {strides = array<i32>} : memref<6256xf32, #tpu.memory_space<vmem>>, vector<16xf32>,
    %swap3A_151 = vector.shape_cast %swap3A_150 : vector<16xf32> to vector<16xf32>
    %swap3A_152 = vector.shape_cast %broadcast_in_dim3A_95 : vector<16xf32> to vector<16xf32>
    tpu.vector_store %arg7[%swap3A_149], %swap3A_152 {strides = array<i32>} : memref<6256xf32, #tpu.memory_space<vmem>>, vector<16xf32>,
    %scan3A_153 = arith.constant 390 : i32
    %scan3A_154 = arith.addi %scan3A_96, %scan3A_153 : i32
    %mul3A_155 = arith.constant 16 : i32
    %mul3A_156 = arith.muli %scan3A_154, %mul3A_155 : i32
    %multiple_of3A_157 = tpu.assume_multiple %mul3A_156, 16 : i32
    %swap3A_158 = arith.index_cast %multiple_of3A_157 : i32 to index
    %swap3A_159 = tpu.vector_load %arg7[%swap3A_158] {strides = array<i32>} : memref<6256xf32, #tpu.memory_space<vmem>>, vector<16xf32>,
    %swap3A_160 = vector.shape_cast %swap3A_159 : vector<16xf32> to vector<16xf32>
    %swap3A_161 = vector.shape_cast %broadcast_in_dim3A_95 : vector<16xf32> to vector<16xf32>
    tpu.vector_store %arg7[%swap3A_158], %swap3A_161 {strides = array<i32>} : memref<6256xf32, #tpu.memory_space<vmem>>, vector<16xf32>,
    %scan3A_162 = arith.constant 391 : i32
    %mul3A_163 = arith.constant 6256 : i32
    %mul3A_164 = arith.muli %arg1, %mul3A_163 : i32
    %multiple_of3A_165 = tpu.assume_multiple %mul3A_164, 8 : i32
    %lt3A = arith.constant 15 : i32
    %lt3A_166 = arith.cmpi slt, %arg1, %lt3A : i32
    %convert_element_type3A = arith.extui %lt3A_166 : i1 to i32
    %cond3A = arith.constant 0 : i32
    %cond3A_167 = arith.cmpi ne, %convert_element_type3A, %cond3A : i32
    scf.if %cond3A_167 {
      "tpu.region"() ({
        %run_scoped3A_258 = tpu.sem_alloc : memref<!tpu.dma_semaphore, #tpu.memory_space<semaphore_mem>>
        %dma_start3A_259 = tpu.memref_slice %arg8[%multiple_of3A_165] : memref<100000xf32, #tpu.memory_space<vmem_shared>> -> memref<6256xf32, #tpu.memory_space<vmem_shared>>
        %dma_start3A_260 = tpu.memref_slice %arg8[%multiple_of3A_165] : memref<100000xf32, #tpu.memory_space<vmem_shared>> -> memref<6256xf32, #tpu.memory_space<vmem_shared>>
        tpu.enqueue_dma source(%arg7 : memref<6256xf32, #tpu.memory_space<vmem>>) target(%dma_start3A_260 : memref<6256xf32, #tpu.memory_space<vmem_shared>>) target_semaphore(%run_scoped3A_258 : memref<!tpu.dma_semaphore, #tpu.memory_space<semaphore_mem>>)
        %dma_wait3A_261 = tpu.memref_slice %arg8[%multiple_of3A_165] : memref<100000xf32, #tpu.memory_space<vmem_shared>> -> memref<6256xf32, #tpu.memory_space<vmem_shared>>
        %dma_wait3A_262 = tpu.memref_slice %arg8[%multiple_of3A_165] : memref<100000xf32, #tpu.memory_space<vmem_shared>> -> memref<6256xf32, #tpu.memory_space<vmem_shared>>
        tpu.wait_dma2 semaphore(%run_scoped3A_258 : memref<!tpu.dma_semaphore, #tpu.memory_space<semaphore_mem>>) src(%arg7 : memref<6256xf32, #tpu.memory_space<vmem>>) dst(%dma_wait3A_262 : memref<6256xf32, #tpu.memory_space<vmem_shared>>)
        tpu.yield
      }) : () -> ()
    } else {
    }
    %eq3A = arith.constant 15 : i32
    %eq3A_168 = arith.cmpi eq, %arg1, %eq3A : i32
    %convert_element_type3A_169 = arith.extui %eq3A_168 : i1 to i32
    %cond3A_170 = arith.constant 0 : i32
    %cond3A_171 = arith.cmpi ne, %convert_element_type3A_169, %cond3A_170 : i32
    scf.if %cond3A_171 {
      "tpu.region"() ({
        %run_scoped3A_258 = tpu.sem_alloc : memref<!tpu.dma_semaphore, #tpu.memory_space<semaphore_mem>>
        %dma_start3A_259 = arith.constant 0 : i32
        %dma_start3A_260 = tpu.memref_slice %arg7[%dma_start3A_259] : memref<6256xf32, #tpu.memory_space<vmem>> -> memref<6160xf32, #tpu.memory_space<vmem>>
        %dma_start3A_261 = tpu.memref_slice %arg8[%multiple_of3A_165] : memref<100000xf32, #tpu.memory_space<vmem_shared>> -> memref<6160xf32, #tpu.memory_space<vmem_shared>>
        %dma_start3A_262 = tpu.memref_slice %arg8[%multiple_of3A_165] : memref<100000xf32, #tpu.memory_space<vmem_shared>> -> memref<6160xf32, #tpu.memory_space<vmem_shared>>
        %dma_start3A_263 = arith.constant 0 : i32
        %dma_start3A_264 = tpu.memref_slice %arg7[%dma_start3A_263] : memref<6256xf32, #tpu.memory_space<vmem>> -> memref<6160xf32, #tpu.memory_space<vmem>>
        tpu.enqueue_dma source(%dma_start3A_264 : memref<6160xf32, #tpu.memory_space<vmem>>) target(%dma_start3A_262 : memref<6160xf32, #tpu.memory_space<vmem_shared>>) target_semaphore(%run_scoped3A_258 : memref<!tpu.dma_semaphore, #tpu.memory_space<semaphore_mem>>)
        %dma_wait3A_265 = arith.constant 0 : i32
        %dma_wait3A_266 = tpu.memref_slice %arg7[%dma_wait3A_265] : memref<6256xf32, #tpu.memory_space<vmem>> -> memref<6160xf32, #tpu.memory_space<vmem>>
        %dma_wait3A_267 = tpu.memref_slice %arg8[%multiple_of3A_165] : memref<100000xf32, #tpu.memory_space<vmem_shared>> -> memref<6160xf32, #tpu.memory_space<vmem_shared>>
        %dma_wait3A_268 = tpu.memref_slice %arg8[%multiple_of3A_165] : memref<100000xf32, #tpu.memory_space<vmem_shared>> -> memref<6160xf32, #tpu.memory_space<vmem_shared>>
        %dma_wait3A_269 = arith.constant 0 : i32
        %dma_wait3A_270 = tpu.memref_slice %arg7[%dma_wait3A_269] : memref<6256xf32, #tpu.memory_space<vmem>> -> memref<6160xf32, #tpu.memory_space<vmem>>
        tpu.wait_dma2 semaphore(%run_scoped3A_258 : memref<!tpu.dma_semaphore, #tpu.memory_space<semaphore_mem>>) src(%dma_wait3A_270 : memref<6160xf32, #tpu.memory_space<vmem>>) dst(%dma_wait3A_268 : memref<6160xf32, #tpu.memory_space<vmem_shared>>)
        tpu.yield
      }) : () -> ()
    } else {
    }
    %dma_wait3A = arith.constant 0 : i32
    %dma_wait3A_172 = arith.constant 0 : i32
    %dma_wait3A_173 = tpu.memref_slice %arg5[%dma_wait3A, %dma_wait3A_172] : memref<4x128xi32, #tpu.memory_space<vmem>> -> memref<1x128xi32, #tpu.memory_space<vmem>>
    %dma_wait3A_174 = tpu.memref_squeeze %dma_wait3A_173 : memref<1x128xi32, #tpu.memory_space<vmem>> -> memref<128xi32, #tpu.memory_space<vmem>>
    %dma_wait3A_175 = arith.constant 0 : i32
    %dma_wait3A_176 = tpu.memref_slice %arg2[%add3A_4, %dma_wait3A_175] : memref<128x128xi32, #tpu.memory_space<hbm>> -> memref<1x128xi32, #tpu.memory_space<hbm>>
    %dma_wait3A_177 = tpu.memref_squeeze %dma_wait3A_176 : memref<1x128xi32, #tpu.memory_space<hbm>> -> memref<128xi32, #tpu.memory_space<hbm>>
    %dma_wait3A_178 = arith.constant 0 : i32
    %dma_wait3A_179 = tpu.memref_slice %arg5[%dma_wait3A, %dma_wait3A_178] : memref<4x128xi32, #tpu.memory_space<vmem>> -> memref<1x128xi32, #tpu.memory_space<vmem>>
    %dma_wait3A_180 = tpu.memref_squeeze %dma_wait3A_179 : memref<1x128xi32, #tpu.memory_space<vmem>> -> memref<128xi32, #tpu.memory_space<vmem>>
    %dma_wait3A_181 = arith.constant 0 : i32
    %dma_wait3A_182 = tpu.memref_slice %arg2[%add3A_4, %dma_wait3A_181] : memref<128x128xi32, #tpu.memory_space<hbm>> -> memref<1x128xi32, #tpu.memory_space<hbm>>
    %dma_wait3A_183 = tpu.memref_squeeze %dma_wait3A_182 : memref<1x128xi32, #tpu.memory_space<hbm>> -> memref<128xi32, #tpu.memory_space<hbm>>
    tpu.wait_dma2 semaphore(%arg9 : memref<!tpu.dma_semaphore, #tpu.memory_space<semaphore_mem>>) src(%dma_wait3A_183 : memref<128xi32, #tpu.memory_space<hbm>>) dst(%dma_wait3A_180 : memref<128xi32, #tpu.memory_space<vmem>>)
    %dma_wait3A_184 = arith.constant 1 : i32
    %dma_wait3A_185 = arith.constant 0 : i32
    %dma_wait3A_186 = tpu.memref_slice %arg5[%dma_wait3A_184, %dma_wait3A_185] : memref<4x128xi32, #tpu.memory_space<vmem>> -> memref<1x128xi32, #tpu.memory_space<vmem>>
    %dma_wait3A_187 = tpu.memref_squeeze %dma_wait3A_186 : memref<1x128xi32, #tpu.memory_space<vmem>> -> memref<128xi32, #tpu.memory_space<vmem>>
    %dma_wait3A_188 = arith.constant 0 : i32
    %dma_wait3A_189 = tpu.memref_slice %arg2[%add3A_18, %dma_wait3A_188] : memref<128x128xi32, #tpu.memory_space<hbm>> -> memref<1x128xi32, #tpu.memory_space<hbm>>
    %dma_wait3A_190 = tpu.memref_squeeze %dma_wait3A_189 : memref<1x128xi32, #tpu.memory_space<hbm>> -> memref<128xi32, #tpu.memory_space<hbm>>
    %dma_wait3A_191 = arith.constant 0 : i32
    %dma_wait3A_192 = tpu.memref_slice %arg5[%dma_wait3A_184, %dma_wait3A_191] : memref<4x128xi32, #tpu.memory_space<vmem>> -> memref<1x128xi32, #tpu.memory_space<vmem>>
    %dma_wait3A_193 = tpu.memref_squeeze %dma_wait3A_192 : memref<1x128xi32, #tpu.memory_space<vmem>> -> memref<128xi32, #tpu.memory_space<vmem>>
    %dma_wait3A_194 = arith.constant 0 : i32
    %dma_wait3A_195 = tpu.memref_slice %arg2[%add3A_18, %dma_wait3A_194] : memref<128x128xi32, #tpu.memory_space<hbm>> -> memref<1x128xi32, #tpu.memory_space<hbm>>
    %dma_wait3A_196 = tpu.memref_squeeze %dma_wait3A_195 : memref<1x128xi32, #tpu.memory_space<hbm>> -> memref<128xi32, #tpu.memory_space<hbm>>
    tpu.wait_dma2 semaphore(%arg9 : memref<!tpu.dma_semaphore, #tpu.memory_space<semaphore_mem>>) src(%dma_wait3A_196 : memref<128xi32, #tpu.memory_space<hbm>>) dst(%dma_wait3A_193 : memref<128xi32, #tpu.memory_space<vmem>>)
    %dma_wait3A_197 = arith.constant 2 : i32
    %dma_wait3A_198 = arith.constant 0 : i32
    %dma_wait3A_199 = tpu.memref_slice %arg5[%dma_wait3A_197, %dma_wait3A_198] : memref<4x128xi32, #tpu.memory_space<vmem>> -> memref<1x128xi32, #tpu.memory_space<vmem>>
    %dma_wait3A_200 = tpu.memref_squeeze %dma_wait3A_199 : memref<1x128xi32, #tpu.memory_space<vmem>> -> memref<128xi32, #tpu.memory_space<vmem>>
    %dma_wait3A_201 = arith.constant 0 : i32
    %dma_wait3A_202 = tpu.memref_slice %arg2[%add3A_33, %dma_wait3A_201] : memref<128x128xi32, #tpu.memory_space<hbm>> -> memref<1x128xi32, #tpu.memory_space<hbm>>
    %dma_wait3A_203 = tpu.memref_squeeze %dma_wait3A_202 : memref<1x128xi32, #tpu.memory_space<hbm>> -> memref<128xi32, #tpu.memory_space<hbm>>
    %dma_wait3A_204 = arith.constant 0 : i32
    %dma_wait3A_205 = tpu.memref_slice %arg5[%dma_wait3A_197, %dma_wait3A_204] : memref<4x128xi32, #tpu.memory_space<vmem>> -> memref<1x128xi32, #tpu.memory_space<vmem>>
    %dma_wait3A_206 = tpu.memref_squeeze %dma_wait3A_205 : memref<1x128xi32, #tpu.memory_space<vmem>> -> memref<128xi32, #tpu.memory_space<vmem>>
    %dma_wait3A_207 = arith.constant 0 : i32
    %dma_wait3A_208 = tpu.memref_slice %arg2[%add3A_33, %dma_wait3A_207] : memref<128x128xi32, #tpu.memory_space<hbm>> -> memref<1x128xi32, #tpu.memory_space<hbm>>
    %dma_wait3A_209 = tpu.memref_squeeze %dma_wait3A_208 : memref<1x128xi32, #tpu.memory_space<hbm>> -> memref<128xi32, #tpu.memory_space<hbm>>
    tpu.wait_dma2 semaphore(%arg9 : memref<!tpu.dma_semaphore, #tpu.memory_space<semaphore_mem>>) src(%dma_wait3A_209 : memref<128xi32, #tpu.memory_space<hbm>>) dst(%dma_wait3A_206 : memref<128xi32, #tpu.memory_space<vmem>>)
    %dma_wait3A_210 = arith.constant 3 : i32
    %dma_wait3A_211 = arith.constant 0 : i32
    %dma_wait3A_212 = tpu.memref_slice %arg5[%dma_wait3A_210, %dma_wait3A_211] : memref<4x128xi32, #tpu.memory_space<vmem>> -> memref<1x128xi32, #tpu.memory_space<vmem>>
    %dma_wait3A_213 = tpu.memref_squeeze %dma_wait3A_212 : memref<1x128xi32, #tpu.memory_space<vmem>> -> memref<128xi32, #tpu.memory_space<vmem>>
    %dma_wait3A_214 = arith.constant 0 : i32
    %dma_wait3A_215 = tpu.memref_slice %arg2[%add3A_48, %dma_wait3A_214] : memref<128x128xi32, #tpu.memory_space<hbm>> -> memref<1x128xi32, #tpu.memory_space<hbm>>
    %dma_wait3A_216 = tpu.memref_squeeze %dma_wait3A_215 : memref<1x128xi32, #tpu.memory_space<hbm>> -> memref<128xi32, #tpu.memory_space<hbm>>
    %dma_wait3A_217 = arith.constant 0 : i32
    %dma_wait3A_218 = tpu.memref_slice %arg5[%dma_wait3A_210, %dma_wait3A_217] : memref<4x128xi32, #tpu.memory_space<vmem>> -> memref<1x128xi32, #tpu.memory_space<vmem>>
    %dma_wait3A_219 = tpu.memref_squeeze %dma_wait3A_218 : memref<1x128xi32, #tpu.memory_space<vmem>> -> memref<128xi32, #tpu.memory_space<vmem>>
    %dma_wait3A_220 = arith.constant 0 : i32
    %dma_wait3A_221 = tpu.memref_slice %arg2[%add3A_48, %dma_wait3A_220] : memref<128x128xi32, #tpu.memory_space<hbm>> -> memref<1x128xi32, #tpu.memory_space<hbm>>
    %dma_wait3A_222 = tpu.memref_squeeze %dma_wait3A_221 : memref<1x128xi32, #tpu.memory_space<hbm>> -> memref<128xi32, #tpu.memory_space<hbm>>
    tpu.wait_dma2 semaphore(%arg9 : memref<!tpu.dma_semaphore, #tpu.memory_space<semaphore_mem>>) src(%dma_wait3A_222 : memref<128xi32, #tpu.memory_space<hbm>>) dst(%dma_wait3A_219 : memref<128xi32, #tpu.memory_space<vmem>>)
    %barrier3A = arith.constant 0 : index
    tpu.barrier barrier_id(%barrier3A)
    %run_scoped3A = arith.constant 0 : i32
    "tpu.region"() ({
      %run_scoped3A_258 = tpu.sem_alloc : memref<!tpu.dma_semaphore, #tpu.memory_space<semaphore_mem>>
      %dma_start3A_259 = arith.constant 0 : i32
      %dma_start3A_260 = tpu.memref_slice %arg5[%run_scoped3A, %dma_start3A_259] : memref<4x128xi32, #tpu.memory_space<vmem>> -> memref<1x128xi32, #tpu.memory_space<vmem>>
      %dma_start3A_261 = tpu.memref_squeeze %dma_start3A_260 : memref<1x128xi32, #tpu.memory_space<vmem>> -> memref<128xi32, #tpu.memory_space<vmem>>
      %dma_start3A_262 = arith.constant 0 : i32
      %dma_start3A_263 = tpu.memref_slice %arg8[%dma_start3A_262] : memref<100000xf32, #tpu.memory_space<vmem_shared>> -> memref<100000xf32, #tpu.memory_space<vmem_shared>>
      tpu.enqueue_indirect_dma source(%arg6 : memref<128xf32, #tpu.memory_space<vmem>>) target(%dma_start3A_263 : memref<100000xf32, #tpu.memory_space<vmem_shared>>) offsets(%dma_start3A_261 : memref<128xi32, #tpu.memory_space<vmem>>) semaphore(%run_scoped3A_258 : memref<!tpu.dma_semaphore, #tpu.memory_space<semaphore_mem>>) {add = true}
      %dma_wait3A_264 = arith.constant 0 : i32
      %dma_wait3A_265 = tpu.memref_slice %arg5[%run_scoped3A, %dma_wait3A_264] : memref<4x128xi32, #tpu.memory_space<vmem>> -> memref<1x128xi32, #tpu.memory_space<vmem>>
      %dma_wait3A_266 = tpu.memref_squeeze %dma_wait3A_265 : memref<1x128xi32, #tpu.memory_space<vmem>> -> memref<128xi32, #tpu.memory_space<vmem>>
      %dma_wait3A_267 = arith.constant 0 : i32
      %dma_wait3A_268 = tpu.memref_slice %arg8[%dma_wait3A_267] : memref<100000xf32, #tpu.memory_space<vmem_shared>> -> memref<100000xf32, #tpu.memory_space<vmem_shared>>
      tpu.wait_indirect_dma semaphore(%run_scoped3A_258 : memref<!tpu.dma_semaphore, #tpu.memory_space<semaphore_mem>>) src(%arg6 : memref<128xf32, #tpu.memory_space<vmem>>) dst(%dma_wait3A_268 : memref<100000xf32, #tpu.memory_space<vmem_shared>>)
      tpu.yield
    }) : () -> ()
    %run_scoped3A_223 = arith.constant 1 : i32
    "tpu.region"() ({
      %run_scoped3A_258 = tpu.sem_alloc : memref<!tpu.dma_semaphore, #tpu.memory_space<semaphore_mem>>
      %dma_start3A_259 = arith.constant 0 : i32
      %dma_start3A_260 = tpu.memref_slice %arg5[%run_scoped3A_223, %dma_start3A_259] : memref<4x128xi32, #tpu.memory_space<vmem>> -> memref<1x128xi32, #tpu.memory_space<vmem>>
      %dma_start3A_261 = tpu.memref_squeeze %dma_start3A_260 : memref<1x128xi32, #tpu.memory_space<vmem>> -> memref<128xi32, #tpu.memory_space<vmem>>
      %dma_start3A_262 = arith.constant 0 : i32
      %dma_start3A_263 = tpu.memref_slice %arg8[%dma_start3A_262] : memref<100000xf32, #tpu.memory_space<vmem_shared>> -> memref<100000xf32, #tpu.memory_space<vmem_shared>>
      tpu.enqueue_indirect_dma source(%arg6 : memref<128xf32, #tpu.memory_space<vmem>>) target(%dma_start3A_263 : memref<100000xf32, #tpu.memory_space<vmem_shared>>) offsets(%dma_start3A_261 : memref<128xi32, #tpu.memory_space<vmem>>) semaphore(%run_scoped3A_258 : memref<!tpu.dma_semaphore, #tpu.memory_space<semaphore_mem>>) {add = true}
      %dma_wait3A_264 = arith.constant 0 : i32
      %dma_wait3A_265 = tpu.memref_slice %arg5[%run_scoped3A_223, %dma_wait3A_264] : memref<4x128xi32, #tpu.memory_space<vmem>> -> memref<1x128xi32, #tpu.memory_space<vmem>>
      %dma_wait3A_266 = tpu.memref_squeeze %dma_wait3A_265 : memref<1x128xi32, #tpu.memory_space<vmem>> -> memref<128xi32, #tpu.memory_space<vmem>>
      %dma_wait3A_267 = arith.constant 0 : i32
      %dma_wait3A_268 = tpu.memref_slice %arg8[%dma_wait3A_267] : memref<100000xf32, #tpu.memory_space<vmem_shared>> -> memref<100000xf32, #tpu.memory_space<vmem_shared>>
      tpu.wait_indirect_dma semaphore(%run_scoped3A_258 : memref<!tpu.dma_semaphore, #tpu.memory_space<semaphore_mem>>) src(%arg6 : memref<128xf32, #tpu.memory_space<vmem>>) dst(%dma_wait3A_268 : memref<100000xf32, #tpu.memory_space<vmem_shared>>)
      tpu.yield
    }) : () -> ()
    %run_scoped3A_224 = arith.constant 2 : i32
    "tpu.region"() ({
      %run_scoped3A_258 = tpu.sem_alloc : memref<!tpu.dma_semaphore, #tpu.memory_space<semaphore_mem>>
      %dma_start3A_259 = arith.constant 0 : i32
      %dma_start3A_260 = tpu.memref_slice %arg5[%run_scoped3A_224, %dma_start3A_259] : memref<4x128xi32, #tpu.memory_space<vmem>> -> memref<1x128xi32, #tpu.memory_space<vmem>>
      %dma_start3A_261 = tpu.memref_squeeze %dma_start3A_260 : memref<1x128xi32, #tpu.memory_space<vmem>> -> memref<128xi32, #tpu.memory_space<vmem>>
      %dma_start3A_262 = arith.constant 0 : i32
      %dma_start3A_263 = tpu.memref_slice %arg8[%dma_start3A_262] : memref<100000xf32, #tpu.memory_space<vmem_shared>> -> memref<100000xf32, #tpu.memory_space<vmem_shared>>
      tpu.enqueue_indirect_dma source(%arg6 : memref<128xf32, #tpu.memory_space<vmem>>) target(%dma_start3A_263 : memref<100000xf32, #tpu.memory_space<vmem_shared>>) offsets(%dma_start3A_261 : memref<128xi32, #tpu.memory_space<vmem>>) semaphore(%run_scoped3A_258 : memref<!tpu.dma_semaphore, #tpu.memory_space<semaphore_mem>>) {add = true}
      %dma_wait3A_264 = arith.constant 0 : i32
      %dma_wait3A_265 = tpu.memref_slice %arg5[%run_scoped3A_224, %dma_wait3A_264] : memref<4x128xi32, #tpu.memory_space<vmem>> -> memref<1x128xi32, #tpu.memory_space<vmem>>
      %dma_wait3A_266 = tpu.memref_squeeze %dma_wait3A_265 : memref<1x128xi32, #tpu.memory_space<vmem>> -> memref<128xi32, #tpu.memory_space<vmem>>
      %dma_wait3A_267 = arith.constant 0 : i32
      %dma_wait3A_268 = tpu.memref_slice %arg8[%dma_wait3A_267] : memref<100000xf32, #tpu.memory_space<vmem_shared>> -> memref<100000xf32, #tpu.memory_space<vmem_shared>>
      tpu.wait_indirect_dma semaphore(%run_scoped3A_258 : memref<!tpu.dma_semaphore, #tpu.memory_space<semaphore_mem>>) src(%arg6 : memref<128xf32, #tpu.memory_space<vmem>>) dst(%dma_wait3A_268 : memref<100000xf32, #tpu.memory_space<vmem_shared>>)
      tpu.yield
    }) : () -> ()
    %run_scoped3A_225 = arith.constant 3 : i32
    "tpu.region"() ({
      %run_scoped3A_258 = tpu.sem_alloc : memref<!tpu.dma_semaphore, #tpu.memory_space<semaphore_mem>>
      %dma_start3A_259 = arith.constant 0 : i32
      %dma_start3A_260 = tpu.memref_slice %arg5[%run_scoped3A_225, %dma_start3A_259] : memref<4x128xi32, #tpu.memory_space<vmem>> -> memref<1x128xi32, #tpu.memory_space<vmem>>
      %dma_start3A_261 = tpu.memref_squeeze %dma_start3A_260 : memref<1x128xi32, #tpu.memory_space<vmem>> -> memref<128xi32, #tpu.memory_space<vmem>>
      %dma_start3A_262 = arith.constant 0 : i32
      %dma_start3A_263 = tpu.memref_slice %arg8[%dma_start3A_262] : memref<100000xf32, #tpu.memory_space<vmem_shared>> -> memref<100000xf32, #tpu.memory_space<vmem_shared>>
      tpu.enqueue_indirect_dma source(%arg6 : memref<128xf32, #tpu.memory_space<vmem>>) target(%dma_start3A_263 : memref<100000xf32, #tpu.memory_space<vmem_shared>>) offsets(%dma_start3A_261 : memref<128xi32, #tpu.memory_space<vmem>>) semaphore(%run_scoped3A_258 : memref<!tpu.dma_semaphore, #tpu.memory_space<semaphore_mem>>) {add = true}
      %dma_wait3A_264 = arith.constant 0 : i32
      %dma_wait3A_265 = tpu.memref_slice %arg5[%run_scoped3A_225, %dma_wait3A_264] : memref<4x128xi32, #tpu.memory_space<vmem>> -> memref<1x128xi32, #tpu.memory_space<vmem>>
      %dma_wait3A_266 = tpu.memref_squeeze %dma_wait3A_265 : memref<1x128xi32, #tpu.memory_space<vmem>> -> memref<128xi32, #tpu.memory_space<vmem>>
      %dma_wait3A_267 = arith.constant 0 : i32
      %dma_wait3A_268 = tpu.memref_slice %arg8[%dma_wait3A_267] : memref<100000xf32, #tpu.memory_space<vmem_shared>> -> memref<100000xf32, #tpu.memory_space<vmem_shared>>
      tpu.wait_indirect_dma semaphore(%run_scoped3A_258 : memref<!tpu.dma_semaphore, #tpu.memory_space<semaphore_mem>>) src(%arg6 : memref<128xf32, #tpu.memory_space<vmem>>) dst(%dma_wait3A_268 : memref<100000xf32, #tpu.memory_space<vmem_shared>>)
      tpu.yield
    }) : () -> ()
    %barrier3A_226 = arith.constant 0 : index
    tpu.barrier barrier_id(%barrier3A_226)
    %lt3A_227 = arith.constant 15 : i32
    %lt3A_228 = arith.cmpi slt, %arg1, %lt3A_227 : i32
    %eq3A_229 = arith.constant 0 : i32
    %eq3A_230 = arith.cmpi eq, %arg0, %eq3A_229 : i32
    %and3A = arith.andi %lt3A_228, %eq3A_230 : i1
    %convert_element_type3A_231 = arith.extui %and3A : i1 to i32
    %cond3A_232 = arith.constant 0 : i32
    %cond3A_233 = arith.cmpi ne, %convert_element_type3A_231, %cond3A_232 : i32
    scf.if %cond3A_233 {
      "tpu.region"() ({
        %run_scoped3A_258 = tpu.sem_alloc : memref<!tpu.dma_semaphore, #tpu.memory_space<semaphore_mem>>
        %dma_start3A_259 = tpu.memref_slice %arg3[%multiple_of3A_165] : memref<100000xf32, #tpu.memory_space<hbm>> -> memref<6256xf32, #tpu.memory_space<hbm>>
        %dma_start3A_260 = tpu.memref_slice %arg8[%multiple_of3A_165] : memref<100000xf32, #tpu.memory_space<vmem_shared>> -> memref<6256xf32, #tpu.memory_space<vmem_shared>>
        tpu.enqueue_dma source(%dma_start3A_260 : memref<6256xf32, #tpu.memory_space<vmem_shared>>) target(%dma_start3A_259 : memref<6256xf32, #tpu.memory_space<hbm>>) target_semaphore(%run_scoped3A_258 : memref<!tpu.dma_semaphore, #tpu.memory_space<semaphore_mem>>)
        %dma_wait3A_261 = tpu.memref_slice %arg3[%multiple_of3A_165] : memref<100000xf32, #tpu.memory_space<hbm>> -> memref<6256xf32, #tpu.memory_space<hbm>>
        %dma_wait3A_262 = tpu.memref_slice %arg8[%multiple_of3A_165] : memref<100000xf32, #tpu.memory_space<vmem_shared>> -> memref<6256xf32, #tpu.memory_space<vmem_shared>>
        tpu.wait_dma2 semaphore(%run_scoped3A_258 : memref<!tpu.dma_semaphore, #tpu.memory_space<semaphore_mem>>) src(%dma_wait3A_262 : memref<6256xf32, #tpu.memory_space<vmem_shared>>) dst(%dma_wait3A_261 : memref<6256xf32, #tpu.memory_space<hbm>>)
        tpu.yield
      }) : () -> ()
    } else {
    }
    %eq3A_234 = arith.constant 15 : i32
    %eq3A_235 = arith.cmpi eq, %arg1, %eq3A_234 : i32
    %eq3A_236 = arith.constant 0 : i32
    %eq3A_237 = arith.cmpi eq, %arg0, %eq3A_236 : i32
    %and3A_238 = arith.andi %eq3A_235, %eq3A_237 : i1
    %convert_element_type3A_239 = arith.extui %and3A_238 : i1 to i32
    %cond3A_240 = arith.constant 0 : i32
    %cond3A_241 = arith.cmpi ne, %convert_element_type3A_239, %cond3A_240 : i32
    scf.if %cond3A_241 {
      "tpu.region"() ({
        %run_scoped3A_258 = tpu.sem_alloc : memref<!tpu.dma_semaphore, #tpu.memory_space<semaphore_mem>>
        %dma_start3A_259 = tpu.memref_slice %arg3[%multiple_of3A_165] : memref<100000xf32, #tpu.memory_space<hbm>> -> memref<6160xf32, #tpu.memory_space<hbm>>
        %dma_start3A_260 = tpu.memref_slice %arg8[%multiple_of3A_165] : memref<100000xf32, #tpu.memory_space<vmem_shared>> -> memref<6160xf32, #tpu.memory_space<vmem_shared>>
        tpu.enqueue_dma source(%dma_start3A_260 : memref<6160xf32, #tpu.memory_space<vmem_shared>>) target(%dma_start3A_259 : memref<6160xf32, #tpu.memory_space<hbm>>) target_semaphore(%run_scoped3A_258 : memref<!tpu.dma_semaphore, #tpu.memory_space<semaphore_mem>>)
        %dma_wait3A_261 = tpu.memref_slice %arg3[%multiple_of3A_165] : memref<100000xf32, #tpu.memory_space<hbm>> -> memref<6160xf32, #tpu.memory_space<hbm>>
        %dma_wait3A_262 = tpu.memref_slice %arg8[%multiple_of3A_165] : memref<100000xf32, #tpu.memory_space<vmem_shared>> -> memref<6160xf32, #tpu.memory_space<vmem_shared>>
        tpu.wait_dma2 semaphore(%run_scoped3A_258 : memref<!tpu.dma_semaphore, #tpu.memory_space<semaphore_mem>>) src(%dma_wait3A_262 : memref<6160xf32, #tpu.memory_space<vmem_shared>>) dst(%dma_wait3A_261 : memref<6160xf32, #tpu.memory_space<hbm>>)
        tpu.yield
      }) : () -> ()
    } else {
    }
    %lt3A_242 = arith.constant 15 : i32
    %lt3A_243 = arith.cmpi slt, %arg1, %lt3A_242 : i32
    %eq3A_244 = arith.constant 1 : i32
    %eq3A_245 = arith.cmpi eq, %arg0, %eq3A_244 : i32
    %and3A_246 = arith.andi %lt3A_243, %eq3A_245 : i1
    %convert_element_type3A_247 = arith.extui %and3A_246 : i1 to i32
    %cond3A_248 = arith.constant 0 : i32
    %cond3A_249 = arith.cmpi ne, %convert_element_type3A_247, %cond3A_248 : i32
    scf.if %cond3A_249 {
      "tpu.region"() ({
        %run_scoped3A_258 = tpu.sem_alloc : memref<!tpu.dma_semaphore, #tpu.memory_space<semaphore_mem>>
        %dma_start3A_259 = tpu.memref_slice %arg4[%multiple_of3A_165] : memref<100000xf32, #tpu.memory_space<hbm>> -> memref<6256xf32, #tpu.memory_space<hbm>>
        %dma_start3A_260 = tpu.memref_slice %arg8[%multiple_of3A_165] : memref<100000xf32, #tpu.memory_space<vmem_shared>> -> memref<6256xf32, #tpu.memory_space<vmem_shared>>
        tpu.enqueue_dma source(%dma_start3A_260 : memref<6256xf32, #tpu.memory_space<vmem_shared>>) target(%dma_start3A_259 : memref<6256xf32, #tpu.memory_space<hbm>>) target_semaphore(%run_scoped3A_258 : memref<!tpu.dma_semaphore, #tpu.memory_space<semaphore_mem>>)
        %dma_wait3A_261 = tpu.memref_slice %arg4[%multiple_of3A_165] : memref<100000xf32, #tpu.memory_space<hbm>> -> memref<6256xf32, #tpu.memory_space<hbm>>
        %dma_wait3A_262 = tpu.memref_slice %arg8[%multiple_of3A_165] : memref<100000xf32, #tpu.memory_space<vmem_shared>> -> memref<6256xf32, #tpu.memory_space<vmem_shared>>
        tpu.wait_dma2 semaphore(%run_scoped3A_258 : memref<!tpu.dma_semaphore, #tpu.memory_space<semaphore_mem>>) src(%dma_wait3A_262 : memref<6256xf32, #tpu.memory_space<vmem_shared>>) dst(%dma_wait3A_261 : memref<6256xf32, #tpu.memory_space<hbm>>)
        tpu.yield
      }) : () -> ()
    } else {
    }
    %eq3A_250 = arith.constant 15 : i32
    %eq3A_251 = arith.cmpi eq, %arg1, %eq3A_250 : i32
    %eq3A_252 = arith.constant 1 : i32
    %eq3A_253 = arith.cmpi eq, %arg0, %eq3A_252 : i32
    %and3A_254 = arith.andi %eq3A_251, %eq3A_253 : i1
    %convert_element_type3A_255 = arith.extui %and3A_254 : i1 to i32
    %cond3A_256 = arith.constant 0 : i32
    %cond3A_257 = arith.cmpi ne, %convert_element_type3A_255, %cond3A_256 : i32
    scf.if %cond3A_257 {
      "tpu.region"() ({
        %run_scoped3A_258 = tpu.sem_alloc : memref<!tpu.dma_semaphore, #tpu.memory_space<semaphore_mem>>
        %dma_start3A_259 = tpu.memref_slice %arg4[%multiple_of3A_165] : memref<100000xf32, #tpu.memory_space<hbm>> -> memref<6160xf32, #tpu.memory_space<hbm>>
        %dma_start3A_260 = tpu.memref_slice %arg8[%multiple_of3A_165] : memref<100000xf32, #tpu.memory_space<vmem_shared>> -> memref<6160xf32, #tpu.memory_space<vmem_shared>>
        tpu.enqueue_dma source(%dma_start3A_260 : memref<6160xf32, #tpu.memory_space<vmem_shared>>) target(%dma_start3A_259 : memref<6160xf32, #tpu.memory_space<hbm>>) target_semaphore(%run_scoped3A_258 : memref<!tpu.dma_semaphore, #tpu.memory_space<semaphore_mem>>)
        %dma_wait3A_261 = tpu.memref_slice %arg4[%multiple_of3A_165] : memref<100000xf32, #tpu.memory_space<hbm>> -> memref<6160xf32, #tpu.memory_space<hbm>>
        %dma_wait3A_262 = tpu.memref_slice %arg8[%multiple_of3A_165] : memref<100000xf32, #tpu.memory_space<vmem_shared>> -> memref<6160xf32, #tpu.memory_space<vmem_shared>>
        tpu.wait_dma2 semaphore(%run_scoped3A_258 : memref<!tpu.dma_semaphore, #tpu.memory_space<semaphore_mem>>) src(%dma_wait3A_262 : memref<6160xf32, #tpu.memory_space<vmem_shared>>) dst(%dma_wait3A_261 : memref<6160xf32, #tpu.memory_space<hbm>>)
        tpu.yield
      }) : () -> ()
    } else {
    }
    return
  }
}

module attributes {stable_mosaic.version = 14 : i64} {
  func.func @_fused_body(%arg0: i32, %arg1: i32, %arg2: memref<25600xf32, #tpu.memory_space<vmem>>, %arg3: memref<25600xf32, #tpu.memory_space<vmem>>, %arg4: memref<64x25600xf32, #tpu.memory_space<vmem>>, %arg5: memref<64x25600xf32, #tpu.memory_space<vmem>>, %arg6: memref<25600xf32, #tpu.memory_space<vmem>>, %arg7: memref<25600xf32, #tpu.memory_space<vmem>>, %arg8: memref<1x64xf32, #tpu.memory_space<vmem>>) attributes {dimension_semantics = [#tpu.dimension_semantics<arbitrary>, #tpu.dimension_semantics<arbitrary>], iteration_bounds = array<i64: 2, 4>, scalar_prefetch = 0 : i64, scratch_operands = 1 : i64, tpu.core_type = #tpu.core_type<tc>, window_params = [{transform_indices = @transform_0, window_bounds = array<i64: 25600>}, {transform_indices = @transform_1, window_bounds = array<i64: 25600>}, {transform_indices = @transform_2, window_bounds = array<i64: 64, 25600>}, {transform_indices = @transform_3, window_bounds = array<i64: 64, 25600>}, {transform_indices = @transform_4, window_bounds = array<i64: 25600>}, {transform_indices = @transform_5, window_bounds = array<i64: 25600>}]} {
    %eq3A = arith.constant 0 : i32
    %eq3A_0 = arith.cmpi eq, %arg0, %eq3A : i32
    %eq3A_1 = arith.constant 0 : i32
    %eq3A_2 = arith.cmpi eq, %arg1, %eq3A_1 : i32
    %and3A = arith.andi %eq3A_0, %eq3A_2 : i1
    %convert_element_type3A = arith.extui %and3A : i1 to i32
    %cond3A = arith.constant 0 : i32
    %cond3A_3 = arith.cmpi ne, %convert_element_type3A, %cond3A : i32
    scf.if %cond3A_3 {
      %broadcast_in_dim3A = arith.constant 0.000000e+00 : f32
      %broadcast_in_dim3A_14 = vector.broadcast %broadcast_in_dim3A : f32 to vector<1x64xf32>
      %swap3A = arith.constant 0 : index
      %swap3A_15 = arith.constant 0 : index
      %swap3A_16 = vector.load %arg8[%swap3A, %swap3A_15] : memref<1x64xf32, #tpu.memory_space<vmem>>, vector<1x64xf32>
      tpu.vector_store %arg8[%swap3A, %swap3A_15], %broadcast_in_dim3A_14 {strides = array<i32>} : memref<1x64xf32, #tpu.memory_space<vmem>>, vector<1x64xf32>,
    } else {
    }
    %eq3A_4 = arith.constant 0 : i32
    %eq3A_5 = arith.cmpi eq, %arg0, %eq3A_4 : i32
    %convert_element_type3A_6 = arith.extui %eq3A_5 : i1 to i32
    %cond3A_7 = arith.constant 0 : i32
    %cond3A_8 = arith.cmpi ne, %convert_element_type3A_6, %cond3A_7 : i32
    scf.if %cond3A_8 {
      %mul3A = arith.constant 25600 : i32
      %mul3A_14 = arith.muli %arg1, %mul3A : i32
      %iota3A = tpu.iota {dimensions = array<i32: 1>} : vector<1x25600xi32>
      %add3A = vector.broadcast %mul3A_14 : i32 to vector<1x25600xi32>
      %add3A_15 = arith.addi %add3A, %iota3A : vector<1x25600xi32>
      %lt3A = arith.constant 100000 : i32
      %lt3A_16 = vector.broadcast %lt3A : i32 to vector<1x25600xi32>
      %lt3A_17 = arith.cmpi slt, %add3A_15, %lt3A_16 : vector<1x25600xi32>
      %get3A = arith.constant 0 : index
      %get3A_18 = vector.load %arg2[%get3A] : memref<25600xf32, #tpu.memory_space<vmem>>, vector<25600xf32>
      %get3A_19 = arith.constant 0 : index
      %get3A_20 = vector.load %arg3[%get3A_19] : memref<25600xf32, #tpu.memory_space<vmem>>, vector<25600xf32>
      %add3A_21 = arith.addf %get3A_18, %get3A_20 : vector<25600xf32>
      %broadcast_in_dim3A = vector.shape_cast %add3A_21 : vector<25600xf32> to vector<1x25600xf32>
      %jit3A = arith.constant 0.000000e+00 : f32
      %broadcast_in_dim3A_22 = vector.broadcast %jit3A : f32 to vector<1x25600xf32>
      %select_n3A = arith.select %lt3A_17, %broadcast_in_dim3A, %broadcast_in_dim3A_22 : vector<1x25600xi1>, vector<1x25600xf32>
      %broadcast_in_dim3A_23 = vector.shape_cast %lt3A_17 : vector<1x25600xi1> to vector<1x25600xi1>
      %broadcast_in_dim3A_24 = vector.broadcast %broadcast_in_dim3A_23 : vector<1x25600xi1> to vector<64x25600xi1>
      %get3A_25 = arith.constant 0 : index
      %get3A_26 = arith.constant 0 : index
      %get3A_27 = vector.load %arg4[%get3A_25, %get3A_26] : memref<64x25600xf32, #tpu.memory_space<vmem>>, vector<64x25600xf32>
      %jit3A_28 = arith.constant 0.000000e+00 : f32
      %broadcast_in_dim3A_29 = vector.broadcast %jit3A_28 : f32 to vector<64x25600xf32>
      %select_n3A_30 = arith.select %broadcast_in_dim3A_24, %get3A_27, %broadcast_in_dim3A_29 : vector<64x25600xi1>, vector<64x25600xf32>
      %get3A_31 = arith.constant 0 : index
      %get3A_32 = arith.constant 0 : index
      %get3A_33 = vector.load %arg8[%get3A_31, %get3A_32] : memref<1x64xf32, #tpu.memory_space<vmem>>, vector<1x64xf32>
      %dot_general3A = arith.constant dense<0.000000e+00> : vector<1x64xf32>
      %dot_general3A_34 = tpu.matmul %select_n3A, %select_n3A_30, %dot_general3A {dimension_numbers = #tpu.dot_dimension_numbers<[1], [1], [0], [0], [0, 0, 1, 0], [], []>, transpose_lhs_hint = false} : vector<1x25600xf32>, vector<64x25600xf32>, vector<1x64xf32> -> vector<1x64xf32>
      %add3A_35 = arith.addf %get3A_33, %dot_general3A_34 : vector<1x64xf32>
      %swap3A = arith.constant 0 : index
      %swap3A_36 = arith.constant 0 : index
      %swap3A_37 = vector.load %arg8[%swap3A, %swap3A_36] : memref<1x64xf32, #tpu.memory_space<vmem>>, vector<1x64xf32>
      tpu.vector_store %arg8[%swap3A, %swap3A_36], %add3A_35 {strides = array<i32>} : memref<1x64xf32, #tpu.memory_space<vmem>>, vector<1x64xf32>,
    } else {
    }
    %eq3A_9 = arith.constant 1 : i32
    %eq3A_10 = arith.cmpi eq, %arg0, %eq3A_9 : i32
    %convert_element_type3A_11 = arith.extui %eq3A_10 : i1 to i32
    %cond3A_12 = arith.constant 0 : i32
    %cond3A_13 = arith.cmpi ne, %convert_element_type3A_11, %cond3A_12 : i32
    scf.if %cond3A_13 {
      %get3A = arith.constant 0 : index
      %get3A_14 = arith.constant 0 : index
      %get3A_15 = vector.load %arg8[%get3A, %get3A_14] : memref<1x64xf32, #tpu.memory_space<vmem>>, vector<1x64xf32>
      %get3A_16 = arith.constant 0 : index
      %get3A_17 = arith.constant 0 : index
      %get3A_18 = vector.load %arg5[%get3A_16, %get3A_17] : memref<64x25600xf32, #tpu.memory_space<vmem>>, vector<64x25600xf32>
      %dot_general3A = arith.constant dense<0.000000e+00> : vector<1x25600xf32>
      %dot_general3A_19 = tpu.matmul %get3A_15, %get3A_18, %dot_general3A {dimension_numbers = #tpu.dot_dimension_numbers<[1], [0], [0], [1], [0, 0, 1, 1], [], []>, transpose_lhs_hint = false} : vector<1x64xf32>, vector<64x25600xf32>, vector<1x25600xf32> -> vector<1x25600xf32>
      %squeeze3A = vector.shape_cast %dot_general3A_19 : vector<1x25600xf32> to vector<25600xf32>
      %get3A_20 = arith.constant 0 : index
      %get3A_21 = vector.load %arg6[%get3A_20] : memref<25600xf32, #tpu.memory_space<vmem>>, vector<25600xf32>
      %add3A = arith.addf %squeeze3A, %get3A_21 : vector<25600xf32>
      %swap3A = arith.constant 0 : index
      %swap3A_22 = vector.load %arg7[%swap3A] : memref<25600xf32, #tpu.memory_space<vmem>>, vector<25600xf32>
      tpu.vector_store %arg7[%swap3A], %add3A {strides = array<i32>} : memref<25600xf32, #tpu.memory_space<vmem>>, vector<25600xf32>,
    } else {
    }
    return
  }
  func.func @transform_0(%arg0: i32, %arg1: i32) -> i32 {
    %sub3A = arith.constant 1 : i32
    %sub3A_0 = arith.subi %sub3A, %arg0 : i32
    %mul3A = arith.muli %arg1, %sub3A_0 : i32
    %mul3A_1 = arith.constant 3 : i32
    %mul3A_2 = arith.muli %mul3A_1, %arg0 : i32
    %add3A = arith.addi %mul3A, %mul3A_2 : i32
    %c0_i32 = arith.constant 0 : i32
    return %add3A : i32
  }
  func.func @transform_1(%arg0: i32, %arg1: i32) -> i32 {
    %sub3A = arith.constant 1 : i32
    %sub3A_0 = arith.subi %sub3A, %arg0 : i32
    %mul3A = arith.muli %arg1, %sub3A_0 : i32
    %mul3A_1 = arith.constant 3 : i32
    %mul3A_2 = arith.muli %mul3A_1, %arg0 : i32
    %add3A = arith.addi %mul3A, %mul3A_2 : i32
    %c0_i32 = arith.constant 0 : i32
    return %add3A : i32
  }
  func.func @transform_2(%arg0: i32, %arg1: i32) -> (i32, i32) {
    %sub3A = arith.constant 1 : i32
    %sub3A_0 = arith.subi %sub3A, %arg0 : i32
    %mul3A = arith.muli %arg1, %sub3A_0 : i32
    %mul3A_1 = arith.constant 3 : i32
    %mul3A_2 = arith.muli %mul3A_1, %arg0 : i32
    %add3A = arith.addi %mul3A, %mul3A_2 : i32
    %c0_i32 = arith.constant 0 : i32
    %c0_i32_3 = arith.constant 0 : i32
    return %c0_i32, %add3A : i32, i32
  }
  func.func @transform_3(%arg0: i32, %arg1: i32) -> (i32, i32) {
    %mul3A = arith.muli %arg1, %arg0 : i32
    %c0_i32 = arith.constant 0 : i32
    %c0_i32_0 = arith.constant 0 : i32
    return %c0_i32, %mul3A : i32, i32
  }
  func.func @transform_4(%arg0: i32, %arg1: i32) -> i32 {
    %mul3A = arith.muli %arg1, %arg0 : i32
    %c0_i32 = arith.constant 0 : i32
    return %mul3A : i32
  }
  func.func @transform_5(%arg0: i32, %arg1: i32) -> i32 {
    %mul3A = arith.muli %arg1, %arg0 : i32
    %c0_i32 = arith.constant 0 : i32
    return %mul3A : i32
  }
}

</mosaic_0001>

<sc_bundles>
// kernel: kernel.4.cloned.1.call-start
scs
__scs_entry_jumppad:
0x0: {  	(pc) =	sbr.rel $0x88, $3  }
0x1: {  	(tag) =	ssettag $0x0;
	lr =	simm.s32 $0x1  }
0x2: {  	[smem:$0x3F9D] =	sst lr;
	_ =	strace $0xD0000000  }
0x3: {  	_ = 	snop  }
0x4: {  	_ = 	snop  }
0x5: {  	_ = 	snop  }
0x6: {  	_ = 	snop  }
0x7: {  	_ = 	snop  }
__scs_overlays_trampoline_lowered:
0x8: {  	[smem:$0x3FAC] =	sst s0  }
0x9: {  	[smem:$0x3FAD] =	sst s1  }
0xa: {  	[smem:$0x3FAE] =	sst s2  }
0xb: {  	[smem:$0x3FAF] =	sst s3  }
0xc: {  	[smem:$0x3FB0] =	sst s4  }
0xd: {  	[smem:$0x3FB1] =	sst s5  }
0xe: {  	[smem:$0x3FB2] =	sst s6  }
0xf: {  	[smem:$0x3FB3] =	sst s7  }
0x10: {  	[smem:$0x3FB4] =	sst s8  }
0x11: {  	[smem:$0x3FB5] =	sst s9;
	s0 =	simm.s32 @!p0 $0x0  }
0x12: {  	s1 =	sld [smem:$0x3F9B];
	s0 =	simm.s32 @p0 $0x1  }
0x13: {  	[smem:$0x3FB6] =	sst s0;
	s0 =	simm.s32 @!p1 $0x0  }
0x14: {  	s2 =	sld [smem:$0x3F9A];
	s0 =	simm.s32 @p1 $0x1  }
0x15: {  	[smem:$0x3FB7] =	sst s0;
	s0 =	simm.s32 @!p2 $0x0  }
0x16: {  	s3 =	sld [smem:$0x3FDB];
	s0 =	simm.s32 @p2 $0x1  }
0x17: {  	s4 =	simm.s32 $0x1BF5;
	[smem:$0x3FB9] =	sst s0  }
0x18: {  	s0 =	sld [smem:$0x3F9C];
	_ =	swait.ge [sflag:s4], $0x0  }
0x19: {  	s7 =	sld [smem:$0x3F9D]  }
0x1a: {  	s8 =	sadd.s32 $0xFFFFE003, lr  }
0x1b: {  	s9 =	sadd.s32 $0xFFFFFEF7, lr;
	s5 =	simm.s32 $0xFFFFFFFF;
	p2 =	slt.u32 s8, $0xFFFFF086  }
0x1c: {  	p1 =	slt.u32 s9, $0xF7A;
	s5 =	simm.s32 @!p2 $0x0  }
0x1d: {  	s5 =	simm.s32 @p1 $0x1;
	p0 =	seq.s32 s7, s2  }
0x1e: {  	s7 =	smul.u32 @!p0 $0xF7A, s2;
	p2 =	seq.s32 @!p0 s5, $0x0  }
0x1f: {  	s9 =	smul.u32 $0xF7A, s1;
	s8 =	simm.s32 @!p0 $0x1BF5;
	p2 =	por !p2, p0  }
0x20: {  	[sflag:s8] =	ssyncset.s32 @!p0 $0xFFFFF086;
	s6 =	sadd.s32 @!p0 s3, s7;
	s7 =	simm.s32 @!p0 $0x108  }
0x21: {  	s3 =	sadd.s32 s3, s9;
	s6 =	sadd.s32 @!p0 $0x88, s6;
	s7 =	simm.s32 @p2 $0x1082  }
0x22: {  	[simem:s7], [sflag:s8] =	dma.local @!p0 [hbm:s6], $0xF7A  }
0x23: {  	s9 =	sor.u32 $0xD0000000, s2;
	s6 =	simm.s32 $0x108;
	_ =	swait.ge @!p0 [sflag:s8], $0x0  }
0x24: {  	s3 =	sadd.s32 $0x88, s3;
	s6 =	simm.s32 @!p1 $0x1082;
	[sflag:s4] =	ssyncset.s32 $0xFFFFF086  }
0x25: {  	[simem:s6], [sflag:s4] =	dma.local [hbm:s3], $0xF7A  }
0x26: {  	[smem:$0x3F9D] =	sst s1;
	(tag) =	ssettag s2;
	_ =	strace s9  }
0x27: {  	s1 =	sld [smem:$0x3FAD]  }
0x28: {  	s2 =	sld [smem:$0x3FAE]  }
0x29: {  	s4 =	sld [smem:$0x3FB0]  }
0x2a: {  	p0 =	seq.s32 s5, $0x0;
	s5 =	sld [smem:$0x3FB1]  }
0x2b: {  	s6 =	sld [smem:$0x3FB2]  }
0x2c: {  	s7 =	sld [smem:$0x3FB3]  }
0x2d: {  	s3 =	simm.s32 $0x108;
	s8 =	sld [smem:$0x3FB4]  }
0x2e: {  	s3 =	simm.s32 @!p0 $0x1082;
	s9 =	sld [smem:$0x3FB5]  }
0x2f: {  	lr =	sadd.s32 s0, s3;
	s0 =	sld [smem:$0x3FAC]  }
0x30: {  	s3 =	sld [smem:$0x3FAF]  }
0x31: {  	[smem:$0x3FB8] =	sst s10  }
0x32: {  	s10 =	sld [smem:$0x3FB6];
	_ =	sdelay $0x3  }
0x33: {  	p0 =	seq.s32 s10, $0x1;
	s10 =	sld [smem:$0x3FB8];
	_ =	sdelay $0x3  }
0x34: {  	[smem:$0x3FB8] =	sst s10  }
0x35: {  	s10 =	sld [smem:$0x3FB7];
	_ =	sdelay $0x3  }
0x36: {  	p1 =	seq.s32 s10, $0x1;
	s10 =	sld [smem:$0x3FB8];
	_ =	sdelay $0x3  }
0x37: {  	[smem:$0x3FB8] =	sst s10  }
0x38: {  	s10 =	sld [smem:$0x3FB9]  }
0x39: {  	_ = 	snop;
	(pc) =	sbr.ind lr, $3  }
0x3a: {  	_ = 	snop  }
0x3b: {  	_ = 	snop  }
0x3c: {  	p2 =	seq.s32 s10, $0x1;
	s10 =	sld [smem:$0x3FB8]  }
0x3d: {  	_ =	shalt  }
0x3e: {  	_ =	shalt  }
0x3f: {  	_ =	shalt  }
0x40: {  	_ =	shalt  }
0x41: {  	_ =	shalt  }
0x42: {  	_ =	shalt  }
0x43: {  	_ =	shalt  }
0x44: {  	_ =	shalt  }
0x45: {  	_ =	shalt  }
0x46: {  	_ =	shalt  }
0x47: {  	_ =	shalt  }
0x48: {  	_ =	shalt  }
0x49: {  	_ =	shalt  }
0x4a: {  	_ =	shalt  }
0x4b: {  	_ =	shalt  }
0x4c: {  	_ =	shalt  }
0x4d: {  	_ =	shalt  }
0x4e: {  	_ =	shalt  }
0x4f: {  	_ =	shalt  }
0x50: {  	_ =	shalt  }
0x51: {  	_ =	shalt  }
0x52: {  	_ =	shalt  }
0x53: {  	_ =	shalt  }
0x54: {  	_ =	shalt  }
0x55: {  	_ =	shalt  }
0x56: {  	_ =	shalt  }
0x57: {  	_ =	shalt  }
0x58: {  	_ =	shalt  }
0x59: {  	_ =	shalt  }
0x5a: {  	_ =	shalt  }
0x5b: {  	_ =	shalt  }
0x5c: {  	_ =	shalt  }
0x5d: {  	_ =	shalt  }
0x5e: {  	_ =	shalt  }
0x5f: {  	_ =	shalt  }
0x60: {  	_ =	shalt  }
0x61: {  	_ =	shalt  }
0x62: {  	_ =	shalt  }
0x63: {  	_ =	shalt  }
0x64: {  	_ =	shalt  }
0x65: {  	_ =	shalt  }
0x66: {  	_ =	shalt  }
0x67: {  	_ =	shalt  }
0x68: {  	_ =	shalt  }
0x69: {  	_ =	shalt  }
0x6a: {  	_ =	shalt  }
0x6b: {  	_ =	shalt  }
0x6c: {  	_ =	shalt  }
0x6d: {  	_ =	shalt  }
0x6e: {  	_ =	shalt  }
0x6f: {  	_ =	shalt  }
0x70: {  	_ =	shalt  }
0x71: {  	_ =	shalt  }
0x72: {  	_ =	shalt  }
0x73: {  	_ =	shalt  }
0x74: {  	_ =	shalt  }
0x75: {  	_ =	shalt  }
0x76: {  	_ =	shalt  }
0x77: {  	_ =	shalt  }
0x78: {  	_ =	shalt  }
0x79: {  	_ =	shalt  }
0x7a: {  	_ =	shalt  }
0x7b: {  	_ =	shalt  }
0x7c: {  	_ =	shalt  }
0x7d: {  	_ =	shalt  }
0x7e: {  	_ =	shalt  }
0x7f: {  	_ =	shalt  }
0x80: {  	_ =	shalt  }
0x81: {  	_ =	shalt  }
0x82: {  	_ =	shalt  }
0x83: {  	_ =	shalt  }
0x84: {  	_ =	shalt  }
0x85: {  	_ =	shalt  }
0x86: {  	_ =	shalt  }
0x87: {  	_ =	shalt  }
.Lfunc_end0:
.L_simem_size_0:
called_computation_lowered:
.L_overlay_start_0:
0x88: {  	s2 =	sld [smem:$0x3FD9]  }
0x89: {  	s3 =	sld [smem:$0x3FFE];
	_ =	sdelay $0x1  }
0x8a: {  	s1 =	srdreg.scid  }
0x8b: {  	s0 =	sand.u32 $0x1, s1  }
0x8c: {  	s17 =	sshll.u32 s0, $0xA;
	s2 =	sadd.s32 s3, s2  }
0x8d: {  	s2 =	sadd.s32 s2, s17  }
0x8e: {  	[smem:$0x3FC4] =	sst s2  }
0x8f: {  	_ = 	snop  }
0x90: {  	s2 =	sld [smem:$0x3FC9]  }
0x91: {  	s18 =	sld [smem:$0x3FD0];
	(tm) =	ssettm $0x1  }
0x92: {  	s4 =	sld [smem:$0x3FFB];
	_ =	sdelay $0x3  }
0x93: {  	_ =	strace s4  }
0x94: {  	s4 =	sld [smem:$0x3FFC];
	_ =	sdelay $0x3  }
0x95: {  	_ =	strace s4  }
0x96: {  	s4 =	sld [smem:$0x3FFD];
	_ =	sdelay $0x3  }
0x97: {  	_ =	strace s4  }
0x98: {  	_ =	strace $0x8FFFFFFF  }
0x99: {  	s19 =	sld [smem:$0x3FDB];
	_ =	sdelay $0x1  }
0x9a: {  	s5 =	simm.s32 $_scs_section_size  }
0x9b: {  	s6 =	simm.s32 $_size__tile_overlayer_lowered;
	s7 =	simm.s32 $_tile_overlayer_lowered  }
0x9c: {  	s22 =	simm.s32 $0x1BFF;
	s21 =	sshll.u32 s7, $0x1;
	s4 =	sadd.s32 s5, s19  }
0x9d: {  	s8 =	simm.s32 $0x0;
	s20 =	sshll.u32 s6, $0x1;
	s6 =	sadd.s32 s21, s4  }
0x9e: {  	[timem:s8], [sflag:s22] =	dma.local [hbm:s6], s20  }
0x9f: {  	_ =	swait.ge [sflag:s22], s20  }
0xa0: {  	s5 =	ssub.s32 $0x0, s20;
	[sflag:s22] =	ssyncset.done $0x0  }
0xa1: {  	[sflag:s22] =	ssyncadd.s32 s5;
	_ =	sdelay $0x1  }
0xa2: {  	s23 =	simm.s32 $0x1B8B  }
0xa3: {  	_ =	swait.ge [sflag:s23], $0x1  }
0xa4: {  	[sflag:s23] =	ssyncset.done $0x0  }
0xa5: {  	s25 =	simm.s32 $0x1B8E;
	s24 =	sld [smem:$0x3FFE];
	[sflag:s23] =	ssyncadd.s32 $0xFFFFFFFF  }
0xa6: {  	s26 =	simm.s32 $execute0_lowered;
	[smem:$0x3FD2] =	sst s25  }
0xa7: {  	s6 =	sshll.u32 s26, $0x1;
	_ =	strace $0x80000046;
	[dreg:$0x1] =	wrdreg $0xFFFFFFFF  }
0xa8: {  	s28 =	simm.s32 $_size_execute0_lowered;
	s4 =	sadd.s32 s4, s6;
	[dreg:$0x0] =	wrdreg $0x0  }
0xa9: {  	s6 =	sshll.u32 s28, $0x1;
	[dreg:$0x2] =	wrdreg s4  }
0xaa: {  	[dreg:$0x3] =	wrdreg s6  }
0xab: {  	[dreg:$0x4] =	wrdreg $0xC0  }
0xac: {  	_ =	task [dreg:s8], $0x5FFFF  }
0xad: {  	[dreg:$0x1] =	wrdreg $0xFFFFFFFF  }
0xae: {  	[dreg:$0x0] =	wrdreg $0x60  }
0xaf: {  	[dreg:$0x2] =	wrdreg s2  }
0xb0: {  	[dreg:$0x3] =	wrdreg s18  }
0xb1: {  	[dreg:$0x4] =	wrdreg s24  }
0xb2: {  	[dreg:$0x5] =	wrdreg $0x1AF00  }
0xb3: {  	[dreg:$0x6] =	wrdreg $0x9  }
0xb4: {  	_ =	task.clear_ibuf [dreg:s8], $0x7FFFF;
	_ =	strace $0x90000046  }
0xb5: {  	s29 =	simm.s32 $0x9;
	_ =	strace $0x80000048  }
0xb6: {  	_ =	swait.ge [sflag:s29], $0x1  }
0xb7: {  	[sflag:s29] =	ssyncadd.s32 $0xFFFFFFFF  }
0xb8: {  	_ =	strace $0x90000048  }
0xb9: {  	_ =	sfence  }
0xba: {  	s30 =	sld [smem:$0x0];
	_ =	sdelay $0x2  }
0xbb: {  	s31 =	sshll.u32 s1, $0xD;
	s1 =	sshrl.u32 s1, $0x2  }
0xbc: {  	s3 =	sand.u32 $0x4000, s31;
	s1 =	sadd.s32 s1, s30  }
0xbd: {  	s0 =	sor.u32 s3, s0;
	s1 =	sshll.u32 s1, $0x11  }
0xbe: {  	s0 =	sor.u32 s1, s0  }
0xbf: {  	s0 =	sadd.s32 $0x8F2B, s0  }
0xc0: {  	[sflag:s0] =	ssyncadd.remote.s32 $0x1  }
0xc1: {  	_ =	sfence.sel $0xFFFF  }
0xc2: {  	[dreg:$0x0] =	wrdreg $0xFFFFFFFF;
	(pc) =	sbr.abs _section_cstart, $3  }
0xc3: {  	[dreg:$0x1] =	wrdreg $0xFFFFFFFF  }
0xc4: {  	_ =	task.clear_ibuf [dreg:s8], $0x2FFFF;
	_ =	strace $0x9FFFFFFF  }
0xc5: {  	(tm) =	ssettm $0x7FFFFFFF  }
tec
execute0_lowered:
.L_overlay_start_1:
0x0: {  	(tag) =	ssettag $0x1  }
0x1: {  	s4 =	rddreg [dreg:$0x0]  }
0x2: {  	s11 =	rddreg [dreg:$0x1]  }
0x3: {  	s13 =	rddreg [dreg:$0x2]  }
0x4: {  	s2 =	rddreg [dreg:$0x3]  }
0x5: {  	s0 =	rddreg [dreg:$0x4];
	s3 =	simm.s32 $0x0  }
0x6: {  	s1 =	stileid.u32;
	s5 =	srdreg.scid;
	s16 =	simm.s32 $0x100  }
0x7: {  	s17 =	simm.s32 $0x180;
	s18 =	simm.s32 $0x1;
	s19 =	simm.s32 $0x200  }
0x8: {  	s20 =	simm.s32 $0x2;
	s24 =	simm.s32 $0x0;
	[smem:$0x7FF] =	sst s3  }
0x9: {  	s9 =	smul.u32 $0x1870, s1;
	s10 =	sand.u32 $0x1, s5;
	s7 =	sshll.u32 s1, $0x6  }
0xa: {  	p0 =	seq.s32 s1, $0xF;
	p3 =	sne.s32 s1, $0xF;
	_ =	strace $0x80000047  }
0xb: {  	s5 =	ssub.s32 $0x2, s10;
	s6 =	sshll.u32 s10, $0xA;
	p2 =	seq.s32 s10, $0x0  }
0xc: {  	p4 =	seq.s32 s10, $0x1;
	s12 =	sshrl.u32 s9, $0x3;
	s8 =	sshrl.u32 s5, $0x1  }
0xd: {  	s6 =	sor.u32 s7, s6;
	s9 =	sadd.s32 s9, s2;
	p1 =	por !p3, !p2  }
0xe: {  	p2 =	por !p2, !p0;
	p3 =	por !p3, !p4;
	p4 =	por !p4, !p0  }
0xf: {  	s14 =	sadd.s32 s12, s13;
	s15 =	ssub.s32 s5, s8;
	s4 =	sadd.s32 s4, s6  }
0x10: {  	s8 =	sadd.s32 $0x16E90, s2;
	p1 =	por !p1, !p1;
	s10 =	sadd.s32 s11, s12  }
0x11: {  	p2 =	por !p2, !p2;
	s11 =	sadd.s32 $0x2DD2, s11;
	p3 =	por !p3, !p3  }
0x12: {  	p4 =	por !p4, !p4;
	s13 =	sadd.s32 $0x3BD2, s13;
	s5 =	sadd.s32 $0x10, s4  }
0x13: {  	s6 =	sadd.s32 $0x20, s4;
	s7 =	sadd.s32 $0x30, s4;
	s12 =	sadd.s32 $0xE00, s14  }
0x14: {  	s14 =	smax.u32 s15, $0x1;
	s15 =	simm.s32 $0x80;
	s21 =	sshll.u32 @p1 s1, $0x6  }
0x15: {  	v0 =	vimm.f32 $1.000000000e+00;
	v1 =	vimm.f32 $0.0e+00;
	s22 =	sshrl.u32 @p1 s9, $0x3;
	s23 =	sshrl.u32 @p2 s8, $0x3;
	s21 =	sor.u32 @p1 $0x1C02, s21  }
.LBB2_1:
0x16: {  	[tilespmem:s3], [sflag:$0x1] =	stream.linear.gather [hbm4b:s4+s3], $0x80, $0x38;
	[tilespmem:$0x3360] =	vst v63  }
0x17: {  	_ = 	snop  }
0x18: {  	[tilespmem:s15], [sflag:$0x1] =	stream.linear.gather [hbm4b:s5+s3], $0x80, $0x38;
	[tilespmem:$0x3360] =	vst v63  }
0x19: {  	_ = 	snop  }
0x1a: {  	[tilespmem:s16], [sflag:$0x1] =	stream.linear.gather [hbm4b:s6+s3], $0x80, $0x38;
	[tilespmem:$0x3360] =	vst v63  }
0x1b: {  	_ = 	snop  }
0x1c: {  	[tilespmem:s17], [sflag:$0x1] =	stream.linear.gather [hbm4b:s7+s3], $0x80, $0x38;
	[tilespmem:$0x3360] =	vst v63  }
0x1d: {  	[tilespmem:$0x200] =	vst v0  }
0x1e: {  	[tilespmem:$0x210] =	vst v0  }
0x1f: {  	[tilespmem:$0x220] =	vst v0  }
0x20: {  	[tilespmem:$0x230] =	vst v0  }
0x21: {  	[tilespmem:$0x240] =	vst v0  }
0x22: {  	[tilespmem:$0x250] =	vst v0  }
0x23: {  	[tilespmem:$0x260] =	vst v0  }
0x24: {  	s25 =	simm.s32 $0x2C0;
	[tilespmem:$0x270] =	vst v0  }
0x25: {  	[tilespmem:s25+$0xFFFFFFC0] =	vst v1  }
0x26: {  	[tilespmem:s25+$0x30] =	vst v1  }
0x27: {  	[tilespmem:s25+$0x20] =	vst v1  }
0x28: {  	[tilespmem:s25+$0x10] =	vst v1  }
0x29: {  	[tilespmem:s25+$0x0] =	vst v1  }
0x2a: {  	[tilespmem:s25+$0xFFFFFFF0] =	vst v1  }
0x2b: {  	s26 =	simm.s32 $0x0;
	[tilespmem:s25+$0xFFFFFFE0] =	vst v1  }
.LBB2_2:
0x2c: {  	s26 =	sadd.s32 $0x8, s26;
	[tilespmem:s25+$0xFFFFFFD0] =	vst v1;
	s25 =	sadd.s32 $0x80, s25  }
0x2d: {  	[tilespmem:s25+$0xFFFFFFC0] =	vst v1;
	p5 =	slt.u32 s26, $0x178  }
0x2e: {  	[tilespmem:s25+$0x30] =	vst v1  }
.Ltmp0:
0x2f: {  	[tilespmem:s25+$0x20] =	vst v1;
	(pc) =	sbr.rel @p5 .LBB2_2-.Ltmp0, $4  }
0x30: {  	[tilespmem:s25+$0x10] =	vst v1  }
0x31: {  	[tilespmem:s25+$0x0] =	vst v1  }
0x32: {  	[tilespmem:s25+$0xFFFFFFF0] =	vst v1  }
0x33: {  	[tilespmem:s25+$0xFFFFFFE0] =	vst v1  }
0x34: {  	[tilespmem:s25+$0xFFFFFFD0] =	vst v1  }
0x35: {  	[tilespmem:$0x1A80] =	vst v1  }
0x36: {  	[tilespmem:$0x1A90] =	vst v1  }
0x37: {  	[tilespmem:$0x1AA0] =	vst v1  }
0x38: {  	[tilespmem:$0x1AB0] =	vst v1  }
0x39: {  	[tilespmem:$0x1AC0] =	vst v1  }
0x3a: {  	[tilespmem:$0x1AD0] =	vst v1  }
0x3b: {  	s25 =	simm.s32 @p0 $0x280;
	[tilespmem:$0x1AE0] =	vst v1  }
0x3c: {  	[spmem:s8] =	stream.linear.scatter @p0 [tilespmem:s25], [sflag:$0x2], $0x1810, $0x38;
	[tilespmem:$0x3360] =	vst v63  }
0x3d: {  	s25 =	simm.s32 @p0 $0x2  }
0x3e: {  	_ =	swait.ge @p0 [sflag:s25], $0x1810  }
0x3f: {  	[sflag:s25] =	ssyncset.done @p0 $0x0  }
0x40: {  	[sflag:s25] =	ssyncadd.s32 @p0 $0xFFFFE7F0;
	s25 =	simm.s32 @!p0 $0x280  }
0x41: {  	[spmem:s9] =	stream.linear.scatter @!p0 [tilespmem:s25], [sflag:$0x2], $0x1870, $0x38;
	[tilespmem:$0x3360] =	vst v63  }
0x42: {  	s25 =	simm.s32 @!p0 $0x2  }
0x43: {  	_ =	swait.ge @!p0 [sflag:s25], $0x1870  }
0x44: {  	[sflag:s25] =	ssyncset.done @!p0 $0x0  }
0x45: {  	[sflag:s25] =	ssyncadd.s32 @!p0 $0xFFFFE790  }
0x46: {  	_ =	swait.ge [sflag:s18], $0x80  }
0x47: {  	[sflag:s18] =	ssyncset.done $0x0  }
0x48: {  	[sflag:s18] =	ssyncadd.s32 $0xFFFFFF80  }
0x49: {  	_ =	swait.ge [sflag:s18], $0x80  }
0x4a: {  	[sflag:s18] =	ssyncset.done $0x0  }
0x4b: {  	[sflag:s18] =	ssyncadd.s32 $0xFFFFFF80  }
0x4c: {  	_ =	swait.ge [sflag:s18], $0x80  }
0x4d: {  	[sflag:s18] =	ssyncset.done $0x0  }
0x4e: {  	[sflag:s18] =	ssyncadd.s32 $0xFFFFFF80  }
0x4f: {  	_ =	swait.ge [sflag:s18], $0x80  }
0x50: {  	[sflag:s18] =	ssyncset.done $0x0  }
0x51: {  	[sflag:s18] =	ssyncadd.s32 $0xFFFFFF80  }
0x52: {  	[bflag:$0x0] =	sbarrier.arrive $0xFFFF  }
0x53: {  	[spmem:s2] =	stream.indirect.scatter.add.f32 [tilespmem:s19], [sflag:$0x2], $0x1, s3, s15, $0xb8;
	[tilespmem:$0x3360] =	vst v63  }
0x54: {  	_ =	swait.ge [sflag:s20], $0x80  }
0x55: {  	[sflag:s20] =	ssyncset.done $0x0  }
0x56: {  	[sflag:s20] =	ssyncadd.s32 $0xFFFFFF80  }
0x57: {  	[spmem:s2] =	stream.indirect.scatter.add.f32 [tilespmem:s19], [sflag:$0x2], $0x1, s15, s15, $0xb8;
	[tilespmem:$0x3360] =	vst v63  }
0x58: {  	_ =	swait.ge [sflag:s20], $0x80  }
0x59: {  	[sflag:s20] =	ssyncset.done $0x0  }
0x5a: {  	[sflag:s20] =	ssyncadd.s32 $0xFFFFFF80  }
0x5b: {  	[spmem:s2] =	stream.indirect.scatter.add.f32 [tilespmem:s19], [sflag:$0x2], $0x1, s16, s15, $0xb8;
	[tilespmem:$0x3360] =	vst v63  }
0x5c: {  	_ =	swait.ge [sflag:s20], $0x80  }
0x5d: {  	[sflag:s20] =	ssyncset.done $0x0  }
0x5e: {  	[sflag:s20] =	ssyncadd.s32 $0xFFFFFF80  }
0x5f: {  	[spmem:s2] =	stream.indirect.scatter.add.f32 [tilespmem:s19], [sflag:$0x2], $0x1, s17, s15, $0xb8;
	[tilespmem:$0x3360] =	vst v63  }
0x60: {  	_ =	swait.ge [sflag:s20], $0x80  }
0x61: {  	[sflag:s20] =	ssyncset.done $0x0  }
0x62: {  	[sflag:s20] =	ssyncadd.s32 $0xFFFFFF80  }
0x63: {  	s25 =	simm.s32 @p1 $0x2;
	[bflag:$0x0] =	sbarrier.arrive $0xFFFF  }
0x64: {  	[hbm:s10], [sflag:s21] =	dma.local @p1 [spmem:s22], $0x30E  }
0x65: {  	_ =	swait.ge @p1 [sflag:s25], $0x30E  }
0x66: {  	[sflag:s25] =	ssyncset.done @p1 $0x0  }
0x67: {  	[sflag:s25] =	ssyncadd.s32 @p1 $0xFFFFFCF2;
	s25 =	simm.s32 @p2 $0x1FC2  }
0x68: {  	[hbm:s11], [sflag:s25] =	dma.local @p2 [spmem:s23], $0x302  }
0x69: {  	s25 =	simm.s32 @p2 $0x2  }
0x6a: {  	_ =	swait.ge @p2 [sflag:s25], $0x302  }
0x6b: {  	s26 =	sshll.u32 @p3 s1, $0x6;
	[sflag:s25] =	ssyncset.done @p2 $0x0  }
0x6c: {  	[sflag:s25] =	ssyncadd.s32 @p2 $0xFFFFFCFE;
	s25 =	sor.u32 @p3 $0x1C02, s26;
	s26 =	sshrl.u32 @p3 s9, $0x3  }
0x6d: {  	[hbm:s12], [sflag:s25] =	dma.local @p3 [spmem:s26], $0x30E  }
0x6e: {  	s25 =	simm.s32 @p3 $0x2  }
0x6f: {  	s24 =	sadd.s32 $0x1, s24;
	_ =	swait.ge @p3 [sflag:s25], $0x30E  }
0x70: {  	p5 =	sne.s32 s24, s14;
	[sflag:s25] =	ssyncset.done @p3 $0x0  }
0x71: {  	s26 =	simm.s32 @p4 $0x1FC2;
	[sflag:s25] =	ssyncadd.s32 @p3 $0xFFFFFCF2;
	s25 =	sshrl.u32 @p4 s8, $0x3  }
0x72: {  	[hbm:s13], [sflag:s26] =	dma.local @p4 [spmem:s25], $0x302  }
.Ltmp1:
0x73: {  	_ = 	snop;
	(pc) =	sbr.rel @p5 .LBB2_1-.Ltmp1, $4  }
0x74: {  	s25 =	simm.s32 @p4 $0x2  }
0x75: {  	_ =	swait.ge @p4 [sflag:s25], $0x302  }
0x76: {  	[sflag:s25] =	ssyncset.done @p4 $0x0  }
0x77: {  	[sflag:s25] =	ssyncadd.s32 @p4 $0xFFFFFCFE  }
0x78: {  	_ =	sfence.sel $0x180000  }
0x79: {  	[bflag:$0x0] =	sbarrier.arrive $0xFFFF  }
0x7a: {  	p0 =	sne.s32 s1, $0x0;
	_ =	strace $0x90000047  }
0x7b: {  	s0 =	sadd.s32 @!p0 $0x100000, s0;
	[bflag:$0x2] =	sbarrier.arrive $0xFFFF  }
0x7c: {  	[sflag:s0] =	ssyncadd.tile.s32 @!p0 $0x1;
	_ =	shalt  }
.Lfunc_end2:
_tile_overlayer_lowered:
.L_overlay_start_2:
0x7d: {  	(tag) =	ssettag $0x2  }
0x7e: {  	s0 =	rddreg [dreg:$0x0];
	s2 =	stileid.u32  }
0x7f: {  	s1 =	rddreg [dreg:$0x1];
	p0 =	sne.s32 s2, $0x0  }
0x80: {  	s3 =	rddreg [dreg:$0x2];
	[bflag:$0x3] =	sbarrier.arrive $0xFFFF;
	s2 =	simm.s32 @!p0 $0x1C02  }
0x81: {  	[timem:s3], [sflag:s2] =	dma.local @!p0 [hbm:s0], s1  }
0x82: {  	s0 =	simm.s32 @!p0 $0x2  }
0x83: {  	_ =	swait.ge @!p0 [sflag:s0], s1  }
0x84: {  	s1 =	ssub.s32 @!p0 $0x0, s1;
	[sflag:s0] =	ssyncset.done @!p0 $0x0  }
0x85: {  	[sflag:s0] =	ssyncadd.s32 @!p0 s1  }
0x86: {  	[bflag:$0x3] =	sbarrier.arrive $0xFFFF  }
0x87: {  	_ =	shalt  }

</sc_bundles>
